<compile_context>
chip_gen: v7x
topology: tpu7x:2x2x1
jax: 0.10.2.dev20260603
libtpu: 0.0.44.dev20260713+nightly
codegen_flags: <defaults>
</compile_context>

<pallas_src>
import functools

import jax
import jax.numpy as jnp
from jax import lax
from jax.experimental import pallas as pl
from jax.experimental.pallas import tpu as pltpu
from jax.experimental.pallas import tpu_sc as plsc

N_NODES = 10000
N_EDGES = 320000
FEAT = 128
FHALF = FEAT // 2

NC = 2
NS = 16
CHUNK = 128
TOTAL_CH = N_EDGES // CHUNK
CH_PER_TILE = TOTAL_CH // NS
TAIL_CH = TOTAL_CH - NS * CH_PER_TILE
NBUF = 6
NROUND = CH_PER_TILE // NBUF

ROWS_PER_TILE = 640
ROWS_LAST = N_NODES - 15 * ROWS_PER_TILE

_mesh = plsc.VectorSubcoreMesh(core_axis_name="c", subcore_axis_name="s")


@functools.partial(
    pl.kernel,
    mesh=_mesh,
    out_type=jax.ShapeDtypeStruct((N_NODES, FEAT), jnp.float32),
    scratch_types=[
        pltpu.VMEM((NBUF, CHUNK), jnp.int32),
        pltpu.VMEM((NBUF, CHUNK, FHALF), jnp.float32),
        pltpu.VMEM((CHUNK, FHALF), jnp.float32),
        pltpu.VMEM((1, CHUNK), jnp.int32),
        pltpu.VMEM((CHUNK, FHALF), jnp.float32),
        pltpu.VMEM_SHARED((N_NODES, FHALF), jnp.float32),
        pltpu.SemaphoreType.DMA((NBUF,)),
        pltpu.SemaphoreType.DMA((NBUF,)),
        pltpu.SemaphoreType.DMA,
        pltpu.SemaphoreType.DMA,
    ],
    compiler_params=pltpu.CompilerParams(use_tc_tiling_on_sc=False),
)
def _sc_scatter(dst_hbm, w_hbm, out_hbm, idx_v, rows_v, zbuf, tidx_v, trows_v,
                acc_sh, fsem, ssem, zsem, tsem):
    cid = lax.axis_index("c")
    sid = lax.axis_index("s")
    fbase = cid * FHALF
    rbase = sid * ROWS_PER_TILE
    cbase = sid * CH_PER_TILE

    def _fetch_idx(g, b):
        return pltpu.make_async_copy(
            dst_hbm.at[0, pl.ds(g * CHUNK, CHUNK)], idx_v.at[b], fsem.at[b]
        )

    def _fetch_rows(g, b):
        return pltpu.make_async_copy(
            w_hbm.at[pl.ds(g * CHUNK, CHUNK), pl.ds(fbase, FHALF)],
            rows_v.at[b],
            fsem.at[b],
        )

    def _scatter(b):
        return pltpu.make_async_copy(
            rows_v.at[b], acc_sh.at[idx_v.at[b]], ssem.at[b]
        )

    def _start_fetch(g, b):
        _fetch_idx(g, b).start()
        _fetch_rows(g, b).start()

    def _wait_fetch(g, b):
        _fetch_idx(g, b).wait()
        _fetch_rows(g, b).wait()

    for b in range(NBUF):
        _start_fetch(cbase + b, b)

    gt = NS * CH_PER_TILE + sid

    def _tail_fetch_idx():
        return pltpu.make_async_copy(
            dst_hbm.at[0, pl.ds(gt * CHUNK, CHUNK)], tidx_v.at[0], tsem
        )

    def _tail_fetch_rows():
        return pltpu.make_async_copy(
            w_hbm.at[pl.ds(gt * CHUNK, CHUNK), pl.ds(fbase, FHALF)],
            trows_v,
            tsem,
        )

    def _tail_scatter():
        return pltpu.make_async_copy(trows_v, acc_sh.at[tidx_v.at[0]], tsem)

    @pl.when(sid < TAIL_CH)
    def _tail_prefetch():
        _tail_fetch_idx().start()
        _tail_fetch_rows().start()

    zvec = jnp.zeros((16,), jnp.float32)

    def _zrow(r, carry):
        for c in range(FHALF // 16):
            zbuf[r, pl.ds(c * 16, 16)] = zvec
        return carry

    lax.fori_loop(0, CHUNK, _zrow, 0)

    def _zcopy(k):
        return pltpu.make_async_copy(
            zbuf, acc_sh.at[pl.ds(rbase + k * CHUNK, CHUNK), :], zsem
        )

    _zn = ROWS_PER_TILE // CHUNK
    _zn_last = ROWS_LAST // CHUNK

    @pl.when(sid < NS - 1)
    def _zero_main():
        for k in range(_zn):
            _zcopy(k).start()
        for k in range(_zn):
            _zcopy(k).wait()

    @pl.when(sid == NS - 1)
    def _zero_last():
        for k in range(_zn_last):
            _zcopy(k).start()
        pltpu.make_async_copy(
            zbuf.at[pl.ds(0, ROWS_LAST % CHUNK)],
            acc_sh.at[pl.ds(rbase + _zn_last * CHUNK, ROWS_LAST % CHUNK), :],
            zsem,
        ).start()
        for k in range(_zn_last):
            _zcopy(k).wait()
        pltpu.make_async_copy(
            zbuf.at[pl.ds(0, ROWS_LAST % CHUNK)],
            acc_sh.at[pl.ds(rbase + _zn_last * CHUNK, ROWS_LAST % CHUNK), :],
            zsem,
        ).wait()

    plsc.subcore_barrier()

    def round_body(t, carry):
        t0 = t * NBUF
        for b in range(NBUF):
            j = t0 + b
            _wait_fetch(cbase + j, b)
            _scatter(b).start(add=True)
        for b in range(NBUF):
            j = t0 + b

            @pl.when(j + NBUF < CH_PER_TILE)
            def _refill(j=j, b=b):
                _scatter(b).wait()
                _start_fetch(cbase + j + NBUF, b)

        return carry

    lax.fori_loop(0, NROUND, round_body, 0)

    @pl.when(sid < TAIL_CH)
    def _tail():
        _tail_fetch_idx().wait()
        _tail_fetch_rows().wait()
        _tail_scatter().start(add=True)

    for b in range(NBUF):
        _scatter(b).wait()

    @pl.when(sid < TAIL_CH)
    def _tail_drain():
        _tail_scatter().wait()

    plsc.subcore_barrier()

    @pl.when(sid < NS - 1)
    def _flush_main():
        pltpu.sync_copy(
            acc_sh.at[pl.ds(rbase, ROWS_PER_TILE), :],
            out_hbm.at[pl.ds(rbase, ROWS_PER_TILE), pl.ds(fbase, FHALF)],
        )

    @pl.when(sid == NS - 1)
    def _flush_last():
        pltpu.sync_copy(
            acc_sh.at[pl.ds(15 * ROWS_PER_TILE, ROWS_LAST), :],
            out_hbm.at[pl.ds(15 * ROWS_PER_TILE, ROWS_LAST),
                       pl.ds(fbase, FHALF)],
        )


def kernel(edge, edge_w, N, E, out_features):
    if edge.dtype != jnp.int32:
        edge = edge.astype(jnp.int32)
    return _sc_scatter(edge, edge_w)

# --- scband reference (transcript-rebuilt; emitter-appended) ---
"""Pipeline reference for scband-sparse-neighborhood-aggregation-16630113370616 (READ-ONLY COPY).

The authoritative reference and input builder live on the scoring server;
editing this copy changes nothing except your own understanding.
"""

import jax, jax.numpy as jnp
import numpy as np

N_NODES = 10000
N_EDGES = 320000
OUT_FEATURES = 128

def setup_inputs(seed: int = 0) -> dict:
    key = jax.random.key(seed)
    k1, k2 = jax.random.split(key)
    edge = jax.random.randint(k1, (2, N_EDGES), 0, N_NODES, dtype=jnp.int64 if jax.config.jax_enable_x64 else jnp.int32)
    edge_w = jax.random.normal(k2, (N_EDGES, OUT_FEATURES), dtype=jnp.float32)
    return {
        "edge": edge,
        "edge_w": edge_w,
        "N": N_NODES,
        "E": N_EDGES,
        "out_features": OUT_FEATURES,
    }

def reference(edge, edge_w, N, E, out_features):
    # SNAFunction.forward: build sparse [N, N, out_features] from (edge, edge_w),
    # then torch.sparse.sum over dim=1 -> dense [N, out_features].
    # This is exactly a scatter-add of edge_w rows into destination rows edge[0].
    n_static = N_NODES
    out_features_static = edge_w.shape[1]
    zero = ((jnp.asarray(N) + jnp.asarray(E) + jnp.asarray(out_features)) * 0).astype(edge.dtype)
    row = edge[0, :] + zero
    out = jnp.zeros((n_static, out_features_static), dtype=edge_w.dtype).at[row].add(edge_w)
    return out

if __name__ == "__main__":
    import jax
    _d = setup_inputs()
    print(jax.jit(kernel)(*tuple(_d.values())))

</pallas_src>

<mosaic_0001>
#map = affine_map<(d0, d1) -> (0, 0)>
module attributes {stable_mosaic.version = 14 : i64} {
  func.func @_sc_scatter(%arg0: i32, %arg1: i32, %arg2: memref<2x320000xi32, #tpu.memory_space<hbm>>, %arg3: memref<320000x128xf32, #tpu.memory_space<hbm>>, %arg4: memref<10000x128xf32, #tpu.memory_space<hbm>>, %arg5: memref<6x128xi32, #tpu.memory_space<vmem>>, %arg6: memref<6x128x64xf32, #tpu.memory_space<vmem>>, %arg7: memref<128x64xf32, #tpu.memory_space<vmem>>, %arg8: memref<1x128xi32, #tpu.memory_space<vmem>>, %arg9: memref<128x64xf32, #tpu.memory_space<vmem>>, %arg10: memref<10000x64xf32, #tpu.memory_space<vmem_shared>>, %arg11: memref<6x!tpu.dma_semaphore, #tpu.memory_space<semaphore_mem>>, %arg12: memref<6x!tpu.dma_semaphore, #tpu.memory_space<semaphore_mem>>, %arg13: memref<!tpu.dma_semaphore, #tpu.memory_space<semaphore_mem>>, %arg14: memref<!tpu.dma_semaphore, #tpu.memory_space<semaphore_mem>>) attributes {dimension_semantics = [#tpu.dimension_semantics<core_parallel>, #tpu.dimension_semantics<subcore_parallel>], iteration_bounds = array<i64: 2, 16>, scalar_prefetch = 0 : i64, scratch_operands = 10 : i64, tpu.core_type = #tpu.core_type<sc_vector_subcore>, window_params = [{transform_indices = #map}, {transform_indices = #map}, {transform_indices = #map}]} {
    %mul3A = arith.constant 64 : i32
    %mul3A_0 = arith.muli %arg0, %mul3A : i32
    %mul3A_1 = arith.constant 640 : i32
    %mul3A_2 = arith.muli %arg1, %mul3A_1 : i32
    %mul3A_3 = arith.constant 156 : i32
    %mul3A_4 = arith.muli %arg1, %mul3A_3 : i32
    %add3A = arith.constant 0 : i32
    %add3A_5 = arith.addi %mul3A_4, %add3A : i32
    %mul3A_6 = arith.constant 128 : i32
    %mul3A_7 = arith.muli %add3A_5, %mul3A_6 : i32
    %dma_start3A = arith.constant 0 : i32
    %dma_start3A_8 = arith.constant 0 : i32
    %dma_start3A_9 = arith.constant 0 : i32
    %dma_start3A_10 = arith.constant 0 : i32
    %dma_start3A_11 = tpu.memref_slice %arg5[%dma_start3A_8, %dma_start3A_10] : memref<6x128xi32, #tpu.memory_space<vmem>> -> memref<1x128xi32, #tpu.memory_space<vmem>>
    %dma_start3A_12 = tpu.memref_squeeze %dma_start3A_11 : memref<1x128xi32, #tpu.memory_space<vmem>> -> memref<128xi32, #tpu.memory_space<vmem>>
    %dma_start3A_13 = tpu.memref_slice %arg2[%dma_start3A, %mul3A_7] : memref<2x320000xi32, #tpu.memory_space<hbm>> -> memref<1x128xi32, #tpu.memory_space<hbm>>
    %dma_start3A_14 = tpu.memref_squeeze %dma_start3A_13 : memref<1x128xi32, #tpu.memory_space<hbm>> -> memref<128xi32, #tpu.memory_space<hbm>>
    %dma_start3A_15 = tpu.memref_slice %arg11[%dma_start3A_9] : memref<6x!tpu.dma_semaphore, #tpu.memory_space<semaphore_mem>> -> memref<1x!tpu.dma_semaphore, #tpu.memory_space<semaphore_mem>>
    %dma_start3A_16 = tpu.memref_squeeze %dma_start3A_15 : memref<1x!tpu.dma_semaphore, #tpu.memory_space<semaphore_mem>> -> memref<!tpu.dma_semaphore, #tpu.memory_space<semaphore_mem>>
    %dma_start3A_17 = arith.constant 0 : i32
    %dma_start3A_18 = tpu.memref_slice %arg5[%dma_start3A_8, %dma_start3A_17] : memref<6x128xi32, #tpu.memory_space<vmem>> -> memref<1x128xi32, #tpu.memory_space<vmem>>
    %dma_start3A_19 = tpu.memref_squeeze %dma_start3A_18 : memref<1x128xi32, #tpu.memory_space<vmem>> -> memref<128xi32, #tpu.memory_space<vmem>>
    %dma_start3A_20 = tpu.memref_slice %arg2[%dma_start3A, %mul3A_7] : memref<2x320000xi32, #tpu.memory_space<hbm>> -> memref<1x128xi32, #tpu.memory_space<hbm>>
    %dma_start3A_21 = tpu.memref_squeeze %dma_start3A_20 : memref<1x128xi32, #tpu.memory_space<hbm>> -> memref<128xi32, #tpu.memory_space<hbm>>
    tpu.enqueue_dma source(%dma_start3A_21 : memref<128xi32, #tpu.memory_space<hbm>>) target(%dma_start3A_19 : memref<128xi32, #tpu.memory_space<vmem>>) target_semaphore(%dma_start3A_16 : memref<!tpu.dma_semaphore, #tpu.memory_space<semaphore_mem>>)
    %mul3A_22 = arith.constant 128 : i32
    %mul3A_23 = arith.muli %add3A_5, %mul3A_22 : i32
    %dma_start3A_24 = arith.constant 0 : i32
    %dma_start3A_25 = arith.constant 0 : i32
    %dma_start3A_26 = arith.constant 0 : i32
    %dma_start3A_27 = arith.constant 0 : i32
    %dma_start3A_28 = tpu.memref_slice %arg6[%dma_start3A_24, %dma_start3A_26, %dma_start3A_27] : memref<6x128x64xf32, #tpu.memory_space<vmem>> -> memref<1x128x64xf32, #tpu.memory_space<vmem>>
    %dma_start3A_29 = tpu.memref_squeeze %dma_start3A_28 : memref<1x128x64xf32, #tpu.memory_space<vmem>> -> memref<128x64xf32, #tpu.memory_space<vmem>>
    %dma_start3A_30 = tpu.memref_slice %arg3[%mul3A_23, %mul3A_0] : memref<320000x128xf32, #tpu.memory_space<hbm>> -> memref<128x64xf32, #tpu.memory_space<hbm>>
    %dma_start3A_31 = tpu.memref_slice %arg11[%dma_start3A_25] : memref<6x!tpu.dma_semaphore, #tpu.memory_space<semaphore_mem>> -> memref<1x!tpu.dma_semaphore, #tpu.memory_space<semaphore_mem>>
    %dma_start3A_32 = tpu.memref_squeeze %dma_start3A_31 : memref<1x!tpu.dma_semaphore, #tpu.memory_space<semaphore_mem>> -> memref<!tpu.dma_semaphore, #tpu.memory_space<semaphore_mem>>
    %dma_start3A_33 = arith.constant 0 : i32
    %dma_start3A_34 = arith.constant 0 : i32
    %dma_start3A_35 = tpu.memref_slice %arg6[%dma_start3A_24, %dma_start3A_33, %dma_start3A_34] : memref<6x128x64xf32, #tpu.memory_space<vmem>> -> memref<1x128x64xf32, #tpu.memory_space<vmem>>
    %dma_start3A_36 = tpu.memref_squeeze %dma_start3A_35 : memref<1x128x64xf32, #tpu.memory_space<vmem>> -> memref<128x64xf32, #tpu.memory_space<vmem>>
    %dma_start3A_37 = tpu.memref_slice %arg3[%mul3A_23, %mul3A_0] : memref<320000x128xf32, #tpu.memory_space<hbm>> -> memref<128x64xf32, #tpu.memory_space<hbm>>
    tpu.enqueue_dma source(%dma_start3A_37 : memref<128x64xf32, #tpu.memory_space<hbm>>) target(%dma_start3A_36 : memref<128x64xf32, #tpu.memory_space<vmem>>) target_semaphore(%dma_start3A_32 : memref<!tpu.dma_semaphore, #tpu.memory_space<semaphore_mem>>)
    %add3A_38 = arith.constant 1 : i32
    %add3A_39 = arith.addi %mul3A_4, %add3A_38 : i32
    %mul3A_40 = arith.constant 128 : i32
    %mul3A_41 = arith.muli %add3A_39, %mul3A_40 : i32
    %dma_start3A_42 = arith.constant 0 : i32
    %dma_start3A_43 = arith.constant 1 : i32
    %dma_start3A_44 = arith.constant 1 : i32
    %dma_start3A_45 = arith.constant 0 : i32
    %dma_start3A_46 = tpu.memref_slice %arg5[%dma_start3A_43, %dma_start3A_45] : memref<6x128xi32, #tpu.memory_space<vmem>> -> memref<1x128xi32, #tpu.memory_space<vmem>>
    %dma_start3A_47 = tpu.memref_squeeze %dma_start3A_46 : memref<1x128xi32, #tpu.memory_space<vmem>> -> memref<128xi32, #tpu.memory_space<vmem>>
    %dma_start3A_48 = tpu.memref_slice %arg2[%dma_start3A_42, %mul3A_41] : memref<2x320000xi32, #tpu.memory_space<hbm>> -> memref<1x128xi32, #tpu.memory_space<hbm>>
    %dma_start3A_49 = tpu.memref_squeeze %dma_start3A_48 : memref<1x128xi32, #tpu.memory_space<hbm>> -> memref<128xi32, #tpu.memory_space<hbm>>
    %dma_start3A_50 = tpu.memref_slice %arg11[%dma_start3A_44] : memref<6x!tpu.dma_semaphore, #tpu.memory_space<semaphore_mem>> -> memref<1x!tpu.dma_semaphore, #tpu.memory_space<semaphore_mem>>
    %dma_start3A_51 = tpu.memref_squeeze %dma_start3A_50 : memref<1x!tpu.dma_semaphore, #tpu.memory_space<semaphore_mem>> -> memref<!tpu.dma_semaphore, #tpu.memory_space<semaphore_mem>>
    %dma_start3A_52 = arith.constant 0 : i32
    %dma_start3A_53 = tpu.memref_slice %arg5[%dma_start3A_43, %dma_start3A_52] : memref<6x128xi32, #tpu.memory_space<vmem>> -> memref<1x128xi32, #tpu.memory_space<vmem>>
    %dma_start3A_54 = tpu.memref_squeeze %dma_start3A_53 : memref<1x128xi32, #tpu.memory_space<vmem>> -> memref<128xi32, #tpu.memory_space<vmem>>
    %dma_start3A_55 = tpu.memref_slice %arg2[%dma_start3A_42, %mul3A_41] : memref<2x320000xi32, #tpu.memory_space<hbm>> -> memref<1x128xi32, #tpu.memory_space<hbm>>
    %dma_start3A_56 = tpu.memref_squeeze %dma_start3A_55 : memref<1x128xi32, #tpu.memory_space<hbm>> -> memref<128xi32, #tpu.memory_space<hbm>>
    tpu.enqueue_dma source(%dma_start3A_56 : memref<128xi32, #tpu.memory_space<hbm>>) target(%dma_start3A_54 : memref<128xi32, #tpu.memory_space<vmem>>) target_semaphore(%dma_start3A_51 : memref<!tpu.dma_semaphore, #tpu.memory_space<semaphore_mem>>)
    %mul3A_57 = arith.constant 128 : i32
    %mul3A_58 = arith.muli %add3A_39, %mul3A_57 : i32
    %dma_start3A_59 = arith.constant 1 : i32
    %dma_start3A_60 = arith.constant 1 : i32
    %dma_start3A_61 = arith.constant 0 : i32
    %dma_start3A_62 = arith.constant 0 : i32
    %dma_start3A_63 = tpu.memref_slice %arg6[%dma_start3A_59, %dma_start3A_61, %dma_start3A_62] : memref<6x128x64xf32, #tpu.memory_space<vmem>> -> memref<1x128x64xf32, #tpu.memory_space<vmem>>
    %dma_start3A_64 = tpu.memref_squeeze %dma_start3A_63 : memref<1x128x64xf32, #tpu.memory_space<vmem>> -> memref<128x64xf32, #tpu.memory_space<vmem>>
    %dma_start3A_65 = tpu.memref_slice %arg3[%mul3A_58, %mul3A_0] : memref<320000x128xf32, #tpu.memory_space<hbm>> -> memref<128x64xf32, #tpu.memory_space<hbm>>
    %dma_start3A_66 = tpu.memref_slice %arg11[%dma_start3A_60] : memref<6x!tpu.dma_semaphore, #tpu.memory_space<semaphore_mem>> -> memref<1x!tpu.dma_semaphore, #tpu.memory_space<semaphore_mem>>
    %dma_start3A_67 = tpu.memref_squeeze %dma_start3A_66 : memref<1x!tpu.dma_semaphore, #tpu.memory_space<semaphore_mem>> -> memref<!tpu.dma_semaphore, #tpu.memory_space<semaphore_mem>>
    %dma_start3A_68 = arith.constant 0 : i32
    %dma_start3A_69 = arith.constant 0 : i32
    %dma_start3A_70 = tpu.memref_slice %arg6[%dma_start3A_59, %dma_start3A_68, %dma_start3A_69] : memref<6x128x64xf32, #tpu.memory_space<vmem>> -> memref<1x128x64xf32, #tpu.memory_space<vmem>>
    %dma_start3A_71 = tpu.memref_squeeze %dma_start3A_70 : memref<1x128x64xf32, #tpu.memory_space<vmem>> -> memref<128x64xf32, #tpu.memory_space<vmem>>
    %dma_start3A_72 = tpu.memref_slice %arg3[%mul3A_58, %mul3A_0] : memref<320000x128xf32, #tpu.memory_space<hbm>> -> memref<128x64xf32, #tpu.memory_space<hbm>>
    tpu.enqueue_dma source(%dma_start3A_72 : memref<128x64xf32, #tpu.memory_space<hbm>>) target(%dma_start3A_71 : memref<128x64xf32, #tpu.memory_space<vmem>>) target_semaphore(%dma_start3A_67 : memref<!tpu.dma_semaphore, #tpu.memory_space<semaphore_mem>>)
    %add3A_73 = arith.constant 2 : i32
    %add3A_74 = arith.addi %mul3A_4, %add3A_73 : i32
    %mul3A_75 = arith.constant 128 : i32
    %mul3A_76 = arith.muli %add3A_74, %mul3A_75 : i32
    %dma_start3A_77 = arith.constant 0 : i32
    %dma_start3A_78 = arith.constant 2 : i32
    %dma_start3A_79 = arith.constant 2 : i32
    %dma_start3A_80 = arith.constant 0 : i32
    %dma_start3A_81 = tpu.memref_slice %arg5[%dma_start3A_78, %dma_start3A_80] : memref<6x128xi32, #tpu.memory_space<vmem>> -> memref<1x128xi32, #tpu.memory_space<vmem>>
    %dma_start3A_82 = tpu.memref_squeeze %dma_start3A_81 : memref<1x128xi32, #tpu.memory_space<vmem>> -> memref<128xi32, #tpu.memory_space<vmem>>
    %dma_start3A_83 = tpu.memref_slice %arg2[%dma_start3A_77, %mul3A_76] : memref<2x320000xi32, #tpu.memory_space<hbm>> -> memref<1x128xi32, #tpu.memory_space<hbm>>
    %dma_start3A_84 = tpu.memref_squeeze %dma_start3A_83 : memref<1x128xi32, #tpu.memory_space<hbm>> -> memref<128xi32, #tpu.memory_space<hbm>>
    %dma_start3A_85 = tpu.memref_slice %arg11[%dma_start3A_79] : memref<6x!tpu.dma_semaphore, #tpu.memory_space<semaphore_mem>> -> memref<1x!tpu.dma_semaphore, #tpu.memory_space<semaphore_mem>>
    %dma_start3A_86 = tpu.memref_squeeze %dma_start3A_85 : memref<1x!tpu.dma_semaphore, #tpu.memory_space<semaphore_mem>> -> memref<!tpu.dma_semaphore, #tpu.memory_space<semaphore_mem>>
    %dma_start3A_87 = arith.constant 0 : i32
    %dma_start3A_88 = tpu.memref_slice %arg5[%dma_start3A_78, %dma_start3A_87] : memref<6x128xi32, #tpu.memory_space<vmem>> -> memref<1x128xi32, #tpu.memory_space<vmem>>
    %dma_start3A_89 = tpu.memref_squeeze %dma_start3A_88 : memref<1x128xi32, #tpu.memory_space<vmem>> -> memref<128xi32, #tpu.memory_space<vmem>>
    %dma_start3A_90 = tpu.memref_slice %arg2[%dma_start3A_77, %mul3A_76] : memref<2x320000xi32, #tpu.memory_space<hbm>> -> memref<1x128xi32, #tpu.memory_space<hbm>>
    %dma_start3A_91 = tpu.memref_squeeze %dma_start3A_90 : memref<1x128xi32, #tpu.memory_space<hbm>> -> memref<128xi32, #tpu.memory_space<hbm>>
    tpu.enqueue_dma source(%dma_start3A_91 : memref<128xi32, #tpu.memory_space<hbm>>) target(%dma_start3A_89 : memref<128xi32, #tpu.memory_space<vmem>>) target_semaphore(%dma_start3A_86 : memref<!tpu.dma_semaphore, #tpu.memory_space<semaphore_mem>>)
    %mul3A_92 = arith.constant 128 : i32
    %mul3A_93 = arith.muli %add3A_74, %mul3A_92 : i32
    %dma_start3A_94 = arith.constant 2 : i32
    %dma_start3A_95 = arith.constant 2 : i32
    %dma_start3A_96 = arith.constant 0 : i32
    %dma_start3A_97 = arith.constant 0 : i32
    %dma_start3A_98 = tpu.memref_slice %arg6[%dma_start3A_94, %dma_start3A_96, %dma_start3A_97] : memref<6x128x64xf32, #tpu.memory_space<vmem>> -> memref<1x128x64xf32, #tpu.memory_space<vmem>>
    %dma_start3A_99 = tpu.memref_squeeze %dma_start3A_98 : memref<1x128x64xf32, #tpu.memory_space<vmem>> -> memref<128x64xf32, #tpu.memory_space<vmem>>
    %dma_start3A_100 = tpu.memref_slice %arg3[%mul3A_93, %mul3A_0] : memref<320000x128xf32, #tpu.memory_space<hbm>> -> memref<128x64xf32, #tpu.memory_space<hbm>>
    %dma_start3A_101 = tpu.memref_slice %arg11[%dma_start3A_95] : memref<6x!tpu.dma_semaphore, #tpu.memory_space<semaphore_mem>> -> memref<1x!tpu.dma_semaphore, #tpu.memory_space<semaphore_mem>>
    %dma_start3A_102 = tpu.memref_squeeze %dma_start3A_101 : memref<1x!tpu.dma_semaphore, #tpu.memory_space<semaphore_mem>> -> memref<!tpu.dma_semaphore, #tpu.memory_space<semaphore_mem>>
    %dma_start3A_103 = arith.constant 0 : i32
    %dma_start3A_104 = arith.constant 0 : i32
    %dma_start3A_105 = tpu.memref_slice %arg6[%dma_start3A_94, %dma_start3A_103, %dma_start3A_104] : memref<6x128x64xf32, #tpu.memory_space<vmem>> -> memref<1x128x64xf32, #tpu.memory_space<vmem>>
    %dma_start3A_106 = tpu.memref_squeeze %dma_start3A_105 : memref<1x128x64xf32, #tpu.memory_space<vmem>> -> memref<128x64xf32, #tpu.memory_space<vmem>>
    %dma_start3A_107 = tpu.memref_slice %arg3[%mul3A_93, %mul3A_0] : memref<320000x128xf32, #tpu.memory_space<hbm>> -> memref<128x64xf32, #tpu.memory_space<hbm>>
    tpu.enqueue_dma source(%dma_start3A_107 : memref<128x64xf32, #tpu.memory_space<hbm>>) target(%dma_start3A_106 : memref<128x64xf32, #tpu.memory_space<vmem>>) target_semaphore(%dma_start3A_102 : memref<!tpu.dma_semaphore, #tpu.memory_space<semaphore_mem>>)
    %add3A_108 = arith.constant 3 : i32
    %add3A_109 = arith.addi %mul3A_4, %add3A_108 : i32
    %mul3A_110 = arith.constant 128 : i32
    %mul3A_111 = arith.muli %add3A_109, %mul3A_110 : i32
    %dma_start3A_112 = arith.constant 0 : i32
    %dma_start3A_113 = arith.constant 3 : i32
    %dma_start3A_114 = arith.constant 3 : i32
    %dma_start3A_115 = arith.constant 0 : i32
    %dma_start3A_116 = tpu.memref_slice %arg5[%dma_start3A_113, %dma_start3A_115] : memref<6x128xi32, #tpu.memory_space<vmem>> -> memref<1x128xi32, #tpu.memory_space<vmem>>
    %dma_start3A_117 = tpu.memref_squeeze %dma_start3A_116 : memref<1x128xi32, #tpu.memory_space<vmem>> -> memref<128xi32, #tpu.memory_space<vmem>>
    %dma_start3A_118 = tpu.memref_slice %arg2[%dma_start3A_112, %mul3A_111] : memref<2x320000xi32, #tpu.memory_space<hbm>> -> memref<1x128xi32, #tpu.memory_space<hbm>>
    %dma_start3A_119 = tpu.memref_squeeze %dma_start3A_118 : memref<1x128xi32, #tpu.memory_space<hbm>> -> memref<128xi32, #tpu.memory_space<hbm>>
    %dma_start3A_120 = tpu.memref_slice %arg11[%dma_start3A_114] : memref<6x!tpu.dma_semaphore, #tpu.memory_space<semaphore_mem>> -> memref<1x!tpu.dma_semaphore, #tpu.memory_space<semaphore_mem>>
    %dma_start3A_121 = tpu.memref_squeeze %dma_start3A_120 : memref<1x!tpu.dma_semaphore, #tpu.memory_space<semaphore_mem>> -> memref<!tpu.dma_semaphore, #tpu.memory_space<semaphore_mem>>
    %dma_start3A_122 = arith.constant 0 : i32
    %dma_start3A_123 = tpu.memref_slice %arg5[%dma_start3A_113, %dma_start3A_122] : memref<6x128xi32, #tpu.memory_space<vmem>> -> memref<1x128xi32, #tpu.memory_space<vmem>>
    %dma_start3A_124 = tpu.memref_squeeze %dma_start3A_123 : memref<1x128xi32, #tpu.memory_space<vmem>> -> memref<128xi32, #tpu.memory_space<vmem>>
    %dma_start3A_125 = tpu.memref_slice %arg2[%dma_start3A_112, %mul3A_111] : memref<2x320000xi32, #tpu.memory_space<hbm>> -> memref<1x128xi32, #tpu.memory_space<hbm>>
    %dma_start3A_126 = tpu.memref_squeeze %dma_start3A_125 : memref<1x128xi32, #tpu.memory_space<hbm>> -> memref<128xi32, #tpu.memory_space<hbm>>
    tpu.enqueue_dma source(%dma_start3A_126 : memref<128xi32, #tpu.memory_space<hbm>>) target(%dma_start3A_124 : memref<128xi32, #tpu.memory_space<vmem>>) target_semaphore(%dma_start3A_121 : memref<!tpu.dma_semaphore, #tpu.memory_space<semaphore_mem>>)
    %mul3A_127 = arith.constant 128 : i32
    %mul3A_128 = arith.muli %add3A_109, %mul3A_127 : i32
    %dma_start3A_129 = arith.constant 3 : i32
    %dma_start3A_130 = arith.constant 3 : i32
    %dma_start3A_131 = arith.constant 0 : i32
    %dma_start3A_132 = arith.constant 0 : i32
    %dma_start3A_133 = tpu.memref_slice %arg6[%dma_start3A_129, %dma_start3A_131, %dma_start3A_132] : memref<6x128x64xf32, #tpu.memory_space<vmem>> -> memref<1x128x64xf32, #tpu.memory_space<vmem>>
    %dma_start3A_134 = tpu.memref_squeeze %dma_start3A_133 : memref<1x128x64xf32, #tpu.memory_space<vmem>> -> memref<128x64xf32, #tpu.memory_space<vmem>>
    %dma_start3A_135 = tpu.memref_slice %arg3[%mul3A_128, %mul3A_0] : memref<320000x128xf32, #tpu.memory_space<hbm>> -> memref<128x64xf32, #tpu.memory_space<hbm>>
    %dma_start3A_136 = tpu.memref_slice %arg11[%dma_start3A_130] : memref<6x!tpu.dma_semaphore, #tpu.memory_space<semaphore_mem>> -> memref<1x!tpu.dma_semaphore, #tpu.memory_space<semaphore_mem>>
    %dma_start3A_137 = tpu.memref_squeeze %dma_start3A_136 : memref<1x!tpu.dma_semaphore, #tpu.memory_space<semaphore_mem>> -> memref<!tpu.dma_semaphore, #tpu.memory_space<semaphore_mem>>
    %dma_start3A_138 = arith.constant 0 : i32
    %dma_start3A_139 = arith.constant 0 : i32
    %dma_start3A_140 = tpu.memref_slice %arg6[%dma_start3A_129, %dma_start3A_138, %dma_start3A_139] : memref<6x128x64xf32, #tpu.memory_space<vmem>> -> memref<1x128x64xf32, #tpu.memory_space<vmem>>
    %dma_start3A_141 = tpu.memref_squeeze %dma_start3A_140 : memref<1x128x64xf32, #tpu.memory_space<vmem>> -> memref<128x64xf32, #tpu.memory_space<vmem>>
    %dma_start3A_142 = tpu.memref_slice %arg3[%mul3A_128, %mul3A_0] : memref<320000x128xf32, #tpu.memory_space<hbm>> -> memref<128x64xf32, #tpu.memory_space<hbm>>
    tpu.enqueue_dma source(%dma_start3A_142 : memref<128x64xf32, #tpu.memory_space<hbm>>) target(%dma_start3A_141 : memref<128x64xf32, #tpu.memory_space<vmem>>) target_semaphore(%dma_start3A_137 : memref<!tpu.dma_semaphore, #tpu.memory_space<semaphore_mem>>)
    %add3A_143 = arith.constant 4 : i32
    %add3A_144 = arith.addi %mul3A_4, %add3A_143 : i32
    %mul3A_145 = arith.constant 128 : i32
    %mul3A_146 = arith.muli %add3A_144, %mul3A_145 : i32
    %dma_start3A_147 = arith.constant 0 : i32
    %dma_start3A_148 = arith.constant 4 : i32
    %dma_start3A_149 = arith.constant 4 : i32
    %dma_start3A_150 = arith.constant 0 : i32
    %dma_start3A_151 = tpu.memref_slice %arg5[%dma_start3A_148, %dma_start3A_150] : memref<6x128xi32, #tpu.memory_space<vmem>> -> memref<1x128xi32, #tpu.memory_space<vmem>>
    %dma_start3A_152 = tpu.memref_squeeze %dma_start3A_151 : memref<1x128xi32, #tpu.memory_space<vmem>> -> memref<128xi32, #tpu.memory_space<vmem>>
    %dma_start3A_153 = tpu.memref_slice %arg2[%dma_start3A_147, %mul3A_146] : memref<2x320000xi32, #tpu.memory_space<hbm>> -> memref<1x128xi32, #tpu.memory_space<hbm>>
    %dma_start3A_154 = tpu.memref_squeeze %dma_start3A_153 : memref<1x128xi32, #tpu.memory_space<hbm>> -> memref<128xi32, #tpu.memory_space<hbm>>
    %dma_start3A_155 = tpu.memref_slice %arg11[%dma_start3A_149] : memref<6x!tpu.dma_semaphore, #tpu.memory_space<semaphore_mem>> -> memref<1x!tpu.dma_semaphore, #tpu.memory_space<semaphore_mem>>
    %dma_start3A_156 = tpu.memref_squeeze %dma_start3A_155 : memref<1x!tpu.dma_semaphore, #tpu.memory_space<semaphore_mem>> -> memref<!tpu.dma_semaphore, #tpu.memory_space<semaphore_mem>>
    %dma_start3A_157 = arith.constant 0 : i32
    %dma_start3A_158 = tpu.memref_slice %arg5[%dma_start3A_148, %dma_start3A_157] : memref<6x128xi32, #tpu.memory_space<vmem>> -> memref<1x128xi32, #tpu.memory_space<vmem>>
    %dma_start3A_159 = tpu.memref_squeeze %dma_start3A_158 : memref<1x128xi32, #tpu.memory_space<vmem>> -> memref<128xi32, #tpu.memory_space<vmem>>
    %dma_start3A_160 = tpu.memref_slice %arg2[%dma_start3A_147, %mul3A_146] : memref<2x320000xi32, #tpu.memory_space<hbm>> -> memref<1x128xi32, #tpu.memory_space<hbm>>
    %dma_start3A_161 = tpu.memref_squeeze %dma_start3A_160 : memref<1x128xi32, #tpu.memory_space<hbm>> -> memref<128xi32, #tpu.memory_space<hbm>>
    tpu.enqueue_dma source(%dma_start3A_161 : memref<128xi32, #tpu.memory_space<hbm>>) target(%dma_start3A_159 : memref<128xi32, #tpu.memory_space<vmem>>) target_semaphore(%dma_start3A_156 : memref<!tpu.dma_semaphore, #tpu.memory_space<semaphore_mem>>)
    %mul3A_162 = arith.constant 128 : i32
    %mul3A_163 = arith.muli %add3A_144, %mul3A_162 : i32
    %dma_start3A_164 = arith.constant 4 : i32
    %dma_start3A_165 = arith.constant 4 : i32
    %dma_start3A_166 = arith.constant 0 : i32
    %dma_start3A_167 = arith.constant 0 : i32
    %dma_start3A_168 = tpu.memref_slice %arg6[%dma_start3A_164, %dma_start3A_166, %dma_start3A_167] : memref<6x128x64xf32, #tpu.memory_space<vmem>> -> memref<1x128x64xf32, #tpu.memory_space<vmem>>
    %dma_start3A_169 = tpu.memref_squeeze %dma_start3A_168 : memref<1x128x64xf32, #tpu.memory_space<vmem>> -> memref<128x64xf32, #tpu.memory_space<vmem>>
    %dma_start3A_170 = tpu.memref_slice %arg3[%mul3A_163, %mul3A_0] : memref<320000x128xf32, #tpu.memory_space<hbm>> -> memref<128x64xf32, #tpu.memory_space<hbm>>
    %dma_start3A_171 = tpu.memref_slice %arg11[%dma_start3A_165] : memref<6x!tpu.dma_semaphore, #tpu.memory_space<semaphore_mem>> -> memref<1x!tpu.dma_semaphore, #tpu.memory_space<semaphore_mem>>
    %dma_start3A_172 = tpu.memref_squeeze %dma_start3A_171 : memref<1x!tpu.dma_semaphore, #tpu.memory_space<semaphore_mem>> -> memref<!tpu.dma_semaphore, #tpu.memory_space<semaphore_mem>>
    %dma_start3A_173 = arith.constant 0 : i32
    %dma_start3A_174 = arith.constant 0 : i32
    %dma_start3A_175 = tpu.memref_slice %arg6[%dma_start3A_164, %dma_start3A_173, %dma_start3A_174] : memref<6x128x64xf32, #tpu.memory_space<vmem>> -> memref<1x128x64xf32, #tpu.memory_space<vmem>>
    %dma_start3A_176 = tpu.memref_squeeze %dma_start3A_175 : memref<1x128x64xf32, #tpu.memory_space<vmem>> -> memref<128x64xf32, #tpu.memory_space<vmem>>
    %dma_start3A_177 = tpu.memref_slice %arg3[%mul3A_163, %mul3A_0] : memref<320000x128xf32, #tpu.memory_space<hbm>> -> memref<128x64xf32, #tpu.memory_space<hbm>>
    tpu.enqueue_dma source(%dma_start3A_177 : memref<128x64xf32, #tpu.memory_space<hbm>>) target(%dma_start3A_176 : memref<128x64xf32, #tpu.memory_space<vmem>>) target_semaphore(%dma_start3A_172 : memref<!tpu.dma_semaphore, #tpu.memory_space<semaphore_mem>>)
    %add3A_178 = arith.constant 5 : i32
    %add3A_179 = arith.addi %mul3A_4, %add3A_178 : i32
    %mul3A_180 = arith.constant 128 : i32
    %mul3A_181 = arith.muli %add3A_179, %mul3A_180 : i32
    %dma_start3A_182 = arith.constant 0 : i32
    %dma_start3A_183 = arith.constant 5 : i32
    %dma_start3A_184 = arith.constant 5 : i32
    %dma_start3A_185 = arith.constant 0 : i32
    %dma_start3A_186 = tpu.memref_slice %arg5[%dma_start3A_183, %dma_start3A_185] : memref<6x128xi32, #tpu.memory_space<vmem>> -> memref<1x128xi32, #tpu.memory_space<vmem>>
    %dma_start3A_187 = tpu.memref_squeeze %dma_start3A_186 : memref<1x128xi32, #tpu.memory_space<vmem>> -> memref<128xi32, #tpu.memory_space<vmem>>
    %dma_start3A_188 = tpu.memref_slice %arg2[%dma_start3A_182, %mul3A_181] : memref<2x320000xi32, #tpu.memory_space<hbm>> -> memref<1x128xi32, #tpu.memory_space<hbm>>
    %dma_start3A_189 = tpu.memref_squeeze %dma_start3A_188 : memref<1x128xi32, #tpu.memory_space<hbm>> -> memref<128xi32, #tpu.memory_space<hbm>>
    %dma_start3A_190 = tpu.memref_slice %arg11[%dma_start3A_184] : memref<6x!tpu.dma_semaphore, #tpu.memory_space<semaphore_mem>> -> memref<1x!tpu.dma_semaphore, #tpu.memory_space<semaphore_mem>>
    %dma_start3A_191 = tpu.memref_squeeze %dma_start3A_190 : memref<1x!tpu.dma_semaphore, #tpu.memory_space<semaphore_mem>> -> memref<!tpu.dma_semaphore, #tpu.memory_space<semaphore_mem>>
    %dma_start3A_192 = arith.constant 0 : i32
    %dma_start3A_193 = tpu.memref_slice %arg5[%dma_start3A_183, %dma_start3A_192] : memref<6x128xi32, #tpu.memory_space<vmem>> -> memref<1x128xi32, #tpu.memory_space<vmem>>
    %dma_start3A_194 = tpu.memref_squeeze %dma_start3A_193 : memref<1x128xi32, #tpu.memory_space<vmem>> -> memref<128xi32, #tpu.memory_space<vmem>>
    %dma_start3A_195 = tpu.memref_slice %arg2[%dma_start3A_182, %mul3A_181] : memref<2x320000xi32, #tpu.memory_space<hbm>> -> memref<1x128xi32, #tpu.memory_space<hbm>>
    %dma_start3A_196 = tpu.memref_squeeze %dma_start3A_195 : memref<1x128xi32, #tpu.memory_space<hbm>> -> memref<128xi32, #tpu.memory_space<hbm>>
    tpu.enqueue_dma source(%dma_start3A_196 : memref<128xi32, #tpu.memory_space<hbm>>) target(%dma_start3A_194 : memref<128xi32, #tpu.memory_space<vmem>>) target_semaphore(%dma_start3A_191 : memref<!tpu.dma_semaphore, #tpu.memory_space<semaphore_mem>>)
    %mul3A_197 = arith.constant 128 : i32
    %mul3A_198 = arith.muli %add3A_179, %mul3A_197 : i32
    %dma_start3A_199 = arith.constant 5 : i32
    %dma_start3A_200 = arith.constant 5 : i32
    %dma_start3A_201 = arith.constant 0 : i32
    %dma_start3A_202 = arith.constant 0 : i32
    %dma_start3A_203 = tpu.memref_slice %arg6[%dma_start3A_199, %dma_start3A_201, %dma_start3A_202] : memref<6x128x64xf32, #tpu.memory_space<vmem>> -> memref<1x128x64xf32, #tpu.memory_space<vmem>>
    %dma_start3A_204 = tpu.memref_squeeze %dma_start3A_203 : memref<1x128x64xf32, #tpu.memory_space<vmem>> -> memref<128x64xf32, #tpu.memory_space<vmem>>
    %dma_start3A_205 = tpu.memref_slice %arg3[%mul3A_198, %mul3A_0] : memref<320000x128xf32, #tpu.memory_space<hbm>> -> memref<128x64xf32, #tpu.memory_space<hbm>>
    %dma_start3A_206 = tpu.memref_slice %arg11[%dma_start3A_200] : memref<6x!tpu.dma_semaphore, #tpu.memory_space<semaphore_mem>> -> memref<1x!tpu.dma_semaphore, #tpu.memory_space<semaphore_mem>>
    %dma_start3A_207 = tpu.memref_squeeze %dma_start3A_206 : memref<1x!tpu.dma_semaphore, #tpu.memory_space<semaphore_mem>> -> memref<!tpu.dma_semaphore, #tpu.memory_space<semaphore_mem>>
    %dma_start3A_208 = arith.constant 0 : i32
    %dma_start3A_209 = arith.constant 0 : i32
    %dma_start3A_210 = tpu.memref_slice %arg6[%dma_start3A_199, %dma_start3A_208, %dma_start3A_209] : memref<6x128x64xf32, #tpu.memory_space<vmem>> -> memref<1x128x64xf32, #tpu.memory_space<vmem>>
    %dma_start3A_211 = tpu.memref_squeeze %dma_start3A_210 : memref<1x128x64xf32, #tpu.memory_space<vmem>> -> memref<128x64xf32, #tpu.memory_space<vmem>>
    %dma_start3A_212 = tpu.memref_slice %arg3[%mul3A_198, %mul3A_0] : memref<320000x128xf32, #tpu.memory_space<hbm>> -> memref<128x64xf32, #tpu.memory_space<hbm>>
    tpu.enqueue_dma source(%dma_start3A_212 : memref<128x64xf32, #tpu.memory_space<hbm>>) target(%dma_start3A_211 : memref<128x64xf32, #tpu.memory_space<vmem>>) target_semaphore(%dma_start3A_207 : memref<!tpu.dma_semaphore, #tpu.memory_space<semaphore_mem>>)
    %add3A_213 = arith.constant 2496 : i32
    %add3A_214 = arith.addi %add3A_213, %arg1 : i32
    %lt3A = arith.constant 4 : i32
    %lt3A_215 = arith.cmpi slt, %arg1, %lt3A : i32
    %convert_element_type3A = arith.extui %lt3A_215 : i1 to i32
    %cond3A = arith.constant 0 : i32
    %cond3A_216 = arith.cmpi ne, %convert_element_type3A, %cond3A : i32
    scf.if %cond3A_216 {
      %mul3A_348 = arith.constant 128 : i32
      %mul3A_349 = arith.muli %add3A_214, %mul3A_348 : i32
      %dma_start3A_350 = arith.constant 0 : i32
      %dma_start3A_351 = arith.constant 0 : i32
      %dma_start3A_352 = arith.constant 0 : i32
      %dma_start3A_353 = tpu.memref_slice %arg8[%dma_start3A_351, %dma_start3A_352] : memref<1x128xi32, #tpu.memory_space<vmem>> -> memref<1x128xi32, #tpu.memory_space<vmem>>
      %dma_start3A_354 = tpu.memref_squeeze %dma_start3A_353 : memref<1x128xi32, #tpu.memory_space<vmem>> -> memref<128xi32, #tpu.memory_space<vmem>>
      %dma_start3A_355 = tpu.memref_slice %arg2[%dma_start3A_350, %mul3A_349] : memref<2x320000xi32, #tpu.memory_space<hbm>> -> memref<1x128xi32, #tpu.memory_space<hbm>>
      %dma_start3A_356 = tpu.memref_squeeze %dma_start3A_355 : memref<1x128xi32, #tpu.memory_space<hbm>> -> memref<128xi32, #tpu.memory_space<hbm>>
      %dma_start3A_357 = arith.constant 0 : i32
      %dma_start3A_358 = tpu.memref_slice %arg8[%dma_start3A_351, %dma_start3A_357] : memref<1x128xi32, #tpu.memory_space<vmem>> -> memref<1x128xi32, #tpu.memory_space<vmem>>
      %dma_start3A_359 = tpu.memref_squeeze %dma_start3A_358 : memref<1x128xi32, #tpu.memory_space<vmem>> -> memref<128xi32, #tpu.memory_space<vmem>>
      %dma_start3A_360 = tpu.memref_slice %arg2[%dma_start3A_350, %mul3A_349] : memref<2x320000xi32, #tpu.memory_space<hbm>> -> memref<1x128xi32, #tpu.memory_space<hbm>>
      %dma_start3A_361 = tpu.memref_squeeze %dma_start3A_360 : memref<1x128xi32, #tpu.memory_space<hbm>> -> memref<128xi32, #tpu.memory_space<hbm>>
      tpu.enqueue_dma source(%dma_start3A_361 : memref<128xi32, #tpu.memory_space<hbm>>) target(%dma_start3A_359 : memref<128xi32, #tpu.memory_space<vmem>>) target_semaphore(%arg14 : memref<!tpu.dma_semaphore, #tpu.memory_space<semaphore_mem>>)
      %mul3A_362 = arith.constant 128 : i32
      %mul3A_363 = arith.muli %add3A_214, %mul3A_362 : i32
      %dma_start3A_364 = tpu.memref_slice %arg3[%mul3A_363, %mul3A_0] : memref<320000x128xf32, #tpu.memory_space<hbm>> -> memref<128x64xf32, #tpu.memory_space<hbm>>
      %dma_start3A_365 = tpu.memref_slice %arg3[%mul3A_363, %mul3A_0] : memref<320000x128xf32, #tpu.memory_space<hbm>> -> memref<128x64xf32, #tpu.memory_space<hbm>>
      tpu.enqueue_dma source(%dma_start3A_365 : memref<128x64xf32, #tpu.memory_space<hbm>>) target(%arg9 : memref<128x64xf32, #tpu.memory_space<vmem>>) target_semaphore(%arg14 : memref<!tpu.dma_semaphore, #tpu.memory_space<semaphore_mem>>)
    } else {
    }
    %broadcast_in_dim3A = arith.constant 0.000000e+00 : f32
    %broadcast_in_dim3A_217 = vector.broadcast %broadcast_in_dim3A : f32 to vector<16xf32>
    %scan3A = arith.constant 0 : i32
    %scan3A_218 = arith.constant 0 : i32
    %scan3A_219 = arith.constant 128 : i32
    %scan3A_220 = arith.addi %scan3A_218, %scan3A_219 : i32
    %scan3A_221 = arith.constant 1 : i32
    scf.for %scan3A_348 = %scan3A_218 to %scan3A_220 step %scan3A_221  : i32 {
      %swap3A = arith.index_cast %scan3A_348 : i32 to index
      %swap3A_349 = arith.constant 0 : index
      %swap3A_350 = tpu.vector_load %arg7[%swap3A, %swap3A_349] {strides = array<i32>} : memref<128x64xf32, #tpu.memory_space<vmem>>, vector<1x16xf32>,
      %swap3A_351 = vector.shape_cast %swap3A_350 : vector<1x16xf32> to vector<16xf32>
      %swap3A_352 = vector.shape_cast %broadcast_in_dim3A_217 : vector<16xf32> to vector<1x16xf32>
      tpu.vector_store %arg7[%swap3A, %swap3A_349], %swap3A_352 {strides = array<i32>} : memref<128x64xf32, #tpu.memory_space<vmem>>, vector<1x16xf32>,
      %swap3A_353 = arith.index_cast %scan3A_348 : i32 to index
      %swap3A_354 = arith.constant 16 : index
      %swap3A_355 = tpu.vector_load %arg7[%swap3A_353, %swap3A_354] {strides = array<i32>} : memref<128x64xf32, #tpu.memory_space<vmem>>, vector<1x16xf32>,
      %swap3A_356 = vector.shape_cast %swap3A_355 : vector<1x16xf32> to vector<16xf32>
      %swap3A_357 = vector.shape_cast %broadcast_in_dim3A_217 : vector<16xf32> to vector<1x16xf32>
      tpu.vector_store %arg7[%swap3A_353, %swap3A_354], %swap3A_357 {strides = array<i32>} : memref<128x64xf32, #tpu.memory_space<vmem>>, vector<1x16xf32>,
      %swap3A_358 = arith.index_cast %scan3A_348 : i32 to index
      %swap3A_359 = arith.constant 32 : index
      %swap3A_360 = tpu.vector_load %arg7[%swap3A_358, %swap3A_359] {strides = array<i32>} : memref<128x64xf32, #tpu.memory_space<vmem>>, vector<1x16xf32>,
      %swap3A_361 = vector.shape_cast %swap3A_360 : vector<1x16xf32> to vector<16xf32>
      %swap3A_362 = vector.shape_cast %broadcast_in_dim3A_217 : vector<16xf32> to vector<1x16xf32>
      tpu.vector_store %arg7[%swap3A_358, %swap3A_359], %swap3A_362 {strides = array<i32>} : memref<128x64xf32, #tpu.memory_space<vmem>>, vector<1x16xf32>,
      %swap3A_363 = arith.index_cast %scan3A_348 : i32 to index
      %swap3A_364 = arith.constant 48 : index
      %swap3A_365 = tpu.vector_load %arg7[%swap3A_363, %swap3A_364] {strides = array<i32>} : memref<128x64xf32, #tpu.memory_space<vmem>>, vector<1x16xf32>,
      %swap3A_366 = vector.shape_cast %swap3A_365 : vector<1x16xf32> to vector<16xf32>
      %swap3A_367 = vector.shape_cast %broadcast_in_dim3A_217 : vector<16xf32> to vector<1x16xf32>
      tpu.vector_store %arg7[%swap3A_363, %swap3A_364], %swap3A_367 {strides = array<i32>} : memref<128x64xf32, #tpu.memory_space<vmem>>, vector<1x16xf32>,
    }
    %scan3A_222 = arith.constant 128 : i32
    %lt3A_223 = arith.constant 15 : i32
    %lt3A_224 = arith.cmpi slt, %arg1, %lt3A_223 : i32
    %convert_element_type3A_225 = arith.extui %lt3A_224 : i1 to i32
    %cond3A_226 = arith.constant 0 : i32
    %cond3A_227 = arith.cmpi ne, %convert_element_type3A_225, %cond3A_226 : i32
    scf.if %cond3A_227 {
      %add3A_348 = arith.constant 0 : i32
      %add3A_349 = arith.addi %mul3A_2, %add3A_348 : i32
      %dma_start3A_350 = arith.constant 0 : i32
      %dma_start3A_351 = tpu.memref_slice %arg10[%add3A_349, %dma_start3A_350] : memref<10000x64xf32, #tpu.memory_space<vmem_shared>> -> memref<128x64xf32, #tpu.memory_space<vmem_shared>>
      %dma_start3A_352 = arith.constant 0 : i32
      %dma_start3A_353 = tpu.memref_slice %arg10[%add3A_349, %dma_start3A_352] : memref<10000x64xf32, #tpu.memory_space<vmem_shared>> -> memref<128x64xf32, #tpu.memory_space<vmem_shared>>
      tpu.enqueue_dma source(%arg7 : memref<128x64xf32, #tpu.memory_space<vmem>>) target(%dma_start3A_353 : memref<128x64xf32, #tpu.memory_space<vmem_shared>>) target_semaphore(%arg13 : memref<!tpu.dma_semaphore, #tpu.memory_space<semaphore_mem>>)
      %add3A_354 = arith.constant 128 : i32
      %add3A_355 = arith.addi %mul3A_2, %add3A_354 : i32
      %dma_start3A_356 = arith.constant 0 : i32
      %dma_start3A_357 = tpu.memref_slice %arg10[%add3A_355, %dma_start3A_356] : memref<10000x64xf32, #tpu.memory_space<vmem_shared>> -> memref<128x64xf32, #tpu.memory_space<vmem_shared>>
      %dma_start3A_358 = arith.constant 0 : i32
      %dma_start3A_359 = tpu.memref_slice %arg10[%add3A_355, %dma_start3A_358] : memref<10000x64xf32, #tpu.memory_space<vmem_shared>> -> memref<128x64xf32, #tpu.memory_space<vmem_shared>>
      tpu.enqueue_dma source(%arg7 : memref<128x64xf32, #tpu.memory_space<vmem>>) target(%dma_start3A_359 : memref<128x64xf32, #tpu.memory_space<vmem_shared>>) target_semaphore(%arg13 : memref<!tpu.dma_semaphore, #tpu.memory_space<semaphore_mem>>)
      %add3A_360 = arith.constant 256 : i32
      %add3A_361 = arith.addi %mul3A_2, %add3A_360 : i32
      %dma_start3A_362 = arith.constant 0 : i32
      %dma_start3A_363 = tpu.memref_slice %arg10[%add3A_361, %dma_start3A_362] : memref<10000x64xf32, #tpu.memory_space<vmem_shared>> -> memref<128x64xf32, #tpu.memory_space<vmem_shared>>
      %dma_start3A_364 = arith.constant 0 : i32
      %dma_start3A_365 = tpu.memref_slice %arg10[%add3A_361, %dma_start3A_364] : memref<10000x64xf32, #tpu.memory_space<vmem_shared>> -> memref<128x64xf32, #tpu.memory_space<vmem_shared>>
      tpu.enqueue_dma source(%arg7 : memref<128x64xf32, #tpu.memory_space<vmem>>) target(%dma_start3A_365 : memref<128x64xf32, #tpu.memory_space<vmem_shared>>) target_semaphore(%arg13 : memref<!tpu.dma_semaphore, #tpu.memory_space<semaphore_mem>>)
      %add3A_366 = arith.constant 384 : i32
      %add3A_367 = arith.addi %mul3A_2, %add3A_366 : i32
      %dma_start3A_368 = arith.constant 0 : i32
      %dma_start3A_369 = tpu.memref_slice %arg10[%add3A_367, %dma_start3A_368] : memref<10000x64xf32, #tpu.memory_space<vmem_shared>> -> memref<128x64xf32, #tpu.memory_space<vmem_shared>>
      %dma_start3A_370 = arith.constant 0 : i32
      %dma_start3A_371 = tpu.memref_slice %arg10[%add3A_367, %dma_start3A_370] : memref<10000x64xf32, #tpu.memory_space<vmem_shared>> -> memref<128x64xf32, #tpu.memory_space<vmem_shared>>
      tpu.enqueue_dma source(%arg7 : memref<128x64xf32, #tpu.memory_space<vmem>>) target(%dma_start3A_371 : memref<128x64xf32, #tpu.memory_space<vmem_shared>>) target_semaphore(%arg13 : memref<!tpu.dma_semaphore, #tpu.memory_space<semaphore_mem>>)
      %add3A_372 = arith.constant 512 : i32
      %add3A_373 = arith.addi %mul3A_2, %add3A_372 : i32
      %dma_start3A_374 = arith.constant 0 : i32
      %dma_start3A_375 = tpu.memref_slice %arg10[%add3A_373, %dma_start3A_374] : memref<10000x64xf32, #tpu.memory_space<vmem_shared>> -> memref<128x64xf32, #tpu.memory_space<vmem_shared>>
      %dma_start3A_376 = arith.constant 0 : i32
      %dma_start3A_377 = tpu.memref_slice %arg10[%add3A_373, %dma_start3A_376] : memref<10000x64xf32, #tpu.memory_space<vmem_shared>> -> memref<128x64xf32, #tpu.memory_space<vmem_shared>>
      tpu.enqueue_dma source(%arg7 : memref<128x64xf32, #tpu.memory_space<vmem>>) target(%dma_start3A_377 : memref<128x64xf32, #tpu.memory_space<vmem_shared>>) target_semaphore(%arg13 : memref<!tpu.dma_semaphore, #tpu.memory_space<semaphore_mem>>)
      %add3A_378 = arith.constant 0 : i32
      %add3A_379 = arith.addi %mul3A_2, %add3A_378 : i32
      %dma_wait3A_380 = arith.constant 0 : i32
      %dma_wait3A_381 = tpu.memref_slice %arg10[%add3A_379, %dma_wait3A_380] : memref<10000x64xf32, #tpu.memory_space<vmem_shared>> -> memref<128x64xf32, #tpu.memory_space<vmem_shared>>
      %dma_wait3A_382 = arith.constant 0 : i32
      %dma_wait3A_383 = tpu.memref_slice %arg10[%add3A_379, %dma_wait3A_382] : memref<10000x64xf32, #tpu.memory_space<vmem_shared>> -> memref<128x64xf32, #tpu.memory_space<vmem_shared>>
      tpu.wait_dma2 semaphore(%arg13 : memref<!tpu.dma_semaphore, #tpu.memory_space<semaphore_mem>>) src(%arg7 : memref<128x64xf32, #tpu.memory_space<vmem>>) dst(%dma_wait3A_383 : memref<128x64xf32, #tpu.memory_space<vmem_shared>>)
      %add3A_384 = arith.constant 128 : i32
      %add3A_385 = arith.addi %mul3A_2, %add3A_384 : i32
      %dma_wait3A_386 = arith.constant 0 : i32
      %dma_wait3A_387 = tpu.memref_slice %arg10[%add3A_385, %dma_wait3A_386] : memref<10000x64xf32, #tpu.memory_space<vmem_shared>> -> memref<128x64xf32, #tpu.memory_space<vmem_shared>>
      %dma_wait3A_388 = arith.constant 0 : i32
      %dma_wait3A_389 = tpu.memref_slice %arg10[%add3A_385, %dma_wait3A_388] : memref<10000x64xf32, #tpu.memory_space<vmem_shared>> -> memref<128x64xf32, #tpu.memory_space<vmem_shared>>
      tpu.wait_dma2 semaphore(%arg13 : memref<!tpu.dma_semaphore, #tpu.memory_space<semaphore_mem>>) src(%arg7 : memref<128x64xf32, #tpu.memory_space<vmem>>) dst(%dma_wait3A_389 : memref<128x64xf32, #tpu.memory_space<vmem_shared>>)
      %add3A_390 = arith.constant 256 : i32
      %add3A_391 = arith.addi %mul3A_2, %add3A_390 : i32
      %dma_wait3A_392 = arith.constant 0 : i32
      %dma_wait3A_393 = tpu.memref_slice %arg10[%add3A_391, %dma_wait3A_392] : memref<10000x64xf32, #tpu.memory_space<vmem_shared>> -> memref<128x64xf32, #tpu.memory_space<vmem_shared>>
      %dma_wait3A_394 = arith.constant 0 : i32
      %dma_wait3A_395 = tpu.memref_slice %arg10[%add3A_391, %dma_wait3A_394] : memref<10000x64xf32, #tpu.memory_space<vmem_shared>> -> memref<128x64xf32, #tpu.memory_space<vmem_shared>>
      tpu.wait_dma2 semaphore(%arg13 : memref<!tpu.dma_semaphore, #tpu.memory_space<semaphore_mem>>) src(%arg7 : memref<128x64xf32, #tpu.memory_space<vmem>>) dst(%dma_wait3A_395 : memref<128x64xf32, #tpu.memory_space<vmem_shared>>)
      %add3A_396 = arith.constant 384 : i32
      %add3A_397 = arith.addi %mul3A_2, %add3A_396 : i32
      %dma_wait3A_398 = arith.constant 0 : i32
      %dma_wait3A_399 = tpu.memref_slice %arg10[%add3A_397, %dma_wait3A_398] : memref<10000x64xf32, #tpu.memory_space<vmem_shared>> -> memref<128x64xf32, #tpu.memory_space<vmem_shared>>
      %dma_wait3A_400 = arith.constant 0 : i32
      %dma_wait3A_401 = tpu.memref_slice %arg10[%add3A_397, %dma_wait3A_400] : memref<10000x64xf32, #tpu.memory_space<vmem_shared>> -> memref<128x64xf32, #tpu.memory_space<vmem_shared>>
      tpu.wait_dma2 semaphore(%arg13 : memref<!tpu.dma_semaphore, #tpu.memory_space<semaphore_mem>>) src(%arg7 : memref<128x64xf32, #tpu.memory_space<vmem>>) dst(%dma_wait3A_401 : memref<128x64xf32, #tpu.memory_space<vmem_shared>>)
      %add3A_402 = arith.constant 512 : i32
      %add3A_403 = arith.addi %mul3A_2, %add3A_402 : i32
      %dma_wait3A_404 = arith.constant 0 : i32
      %dma_wait3A_405 = tpu.memref_slice %arg10[%add3A_403, %dma_wait3A_404] : memref<10000x64xf32, #tpu.memory_space<vmem_shared>> -> memref<128x64xf32, #tpu.memory_space<vmem_shared>>
      %dma_wait3A_406 = arith.constant 0 : i32
      %dma_wait3A_407 = tpu.memref_slice %arg10[%add3A_403, %dma_wait3A_406] : memref<10000x64xf32, #tpu.memory_space<vmem_shared>> -> memref<128x64xf32, #tpu.memory_space<vmem_shared>>
      tpu.wait_dma2 semaphore(%arg13 : memref<!tpu.dma_semaphore, #tpu.memory_space<semaphore_mem>>) src(%arg7 : memref<128x64xf32, #tpu.memory_space<vmem>>) dst(%dma_wait3A_407 : memref<128x64xf32, #tpu.memory_space<vmem_shared>>)
    } else {
    }
    %eq3A = arith.constant 15 : i32
    %eq3A_228 = arith.cmpi eq, %arg1, %eq3A : i32
    %convert_element_type3A_229 = arith.extui %eq3A_228 : i1 to i32
    %cond3A_230 = arith.constant 0 : i32
    %cond3A_231 = arith.cmpi ne, %convert_element_type3A_229, %cond3A_230 : i32
    scf.if %cond3A_231 {
      %add3A_348 = arith.constant 0 : i32
      %add3A_349 = arith.addi %mul3A_2, %add3A_348 : i32
      %dma_start3A_350 = arith.constant 0 : i32
      %dma_start3A_351 = tpu.memref_slice %arg10[%add3A_349, %dma_start3A_350] : memref<10000x64xf32, #tpu.memory_space<vmem_shared>> -> memref<128x64xf32, #tpu.memory_space<vmem_shared>>
      %dma_start3A_352 = arith.constant 0 : i32
      %dma_start3A_353 = tpu.memref_slice %arg10[%add3A_349, %dma_start3A_352] : memref<10000x64xf32, #tpu.memory_space<vmem_shared>> -> memref<128x64xf32, #tpu.memory_space<vmem_shared>>
      tpu.enqueue_dma source(%arg7 : memref<128x64xf32, #tpu.memory_space<vmem>>) target(%dma_start3A_353 : memref<128x64xf32, #tpu.memory_space<vmem_shared>>) target_semaphore(%arg13 : memref<!tpu.dma_semaphore, #tpu.memory_space<semaphore_mem>>)
      %add3A_354 = arith.constant 128 : i32
      %add3A_355 = arith.addi %mul3A_2, %add3A_354 : i32
      %dma_start3A_356 = arith.constant 0 : i32
      %dma_start3A_357 = tpu.memref_slice %arg10[%add3A_355, %dma_start3A_356] : memref<10000x64xf32, #tpu.memory_space<vmem_shared>> -> memref<128x64xf32, #tpu.memory_space<vmem_shared>>
      %dma_start3A_358 = arith.constant 0 : i32
      %dma_start3A_359 = tpu.memref_slice %arg10[%add3A_355, %dma_start3A_358] : memref<10000x64xf32, #tpu.memory_space<vmem_shared>> -> memref<128x64xf32, #tpu.memory_space<vmem_shared>>
      tpu.enqueue_dma source(%arg7 : memref<128x64xf32, #tpu.memory_space<vmem>>) target(%dma_start3A_359 : memref<128x64xf32, #tpu.memory_space<vmem_shared>>) target_semaphore(%arg13 : memref<!tpu.dma_semaphore, #tpu.memory_space<semaphore_mem>>)
      %add3A_360 = arith.constant 256 : i32
      %add3A_361 = arith.addi %mul3A_2, %add3A_360 : i32
      %dma_start3A_362 = arith.constant 0 : i32
      %dma_start3A_363 = tpu.memref_slice %arg10[%add3A_361, %dma_start3A_362] : memref<10000x64xf32, #tpu.memory_space<vmem_shared>> -> memref<128x64xf32, #tpu.memory_space<vmem_shared>>
      %dma_start3A_364 = arith.constant 0 : i32
      %dma_start3A_365 = tpu.memref_slice %arg10[%add3A_361, %dma_start3A_364] : memref<10000x64xf32, #tpu.memory_space<vmem_shared>> -> memref<128x64xf32, #tpu.memory_space<vmem_shared>>
      tpu.enqueue_dma source(%arg7 : memref<128x64xf32, #tpu.memory_space<vmem>>) target(%dma_start3A_365 : memref<128x64xf32, #tpu.memory_space<vmem_shared>>) target_semaphore(%arg13 : memref<!tpu.dma_semaphore, #tpu.memory_space<semaphore_mem>>)
      %add3A_366 = arith.constant 384 : i32
      %add3A_367 = arith.addi %mul3A_2, %add3A_366 : i32
      %dma_start3A_368 = arith.constant 0 : i32
      %dma_start3A_369 = arith.constant 0 : i32
      %dma_start3A_370 = tpu.memref_slice %arg7[%dma_start3A_368, %dma_start3A_369] : memref<128x64xf32, #tpu.memory_space<vmem>> -> memref<16x64xf32, #tpu.memory_space<vmem>>
      %dma_start3A_371 = arith.constant 0 : i32
      %dma_start3A_372 = tpu.memref_slice %arg10[%add3A_367, %dma_start3A_371] : memref<10000x64xf32, #tpu.memory_space<vmem_shared>> -> memref<16x64xf32, #tpu.memory_space<vmem_shared>>
      %dma_start3A_373 = arith.constant 0 : i32
      %dma_start3A_374 = tpu.memref_slice %arg10[%add3A_367, %dma_start3A_373] : memref<10000x64xf32, #tpu.memory_space<vmem_shared>> -> memref<16x64xf32, #tpu.memory_space<vmem_shared>>
      %dma_start3A_375 = arith.constant 0 : i32
      %dma_start3A_376 = arith.constant 0 : i32
      %dma_start3A_377 = tpu.memref_slice %arg7[%dma_start3A_375, %dma_start3A_376] : memref<128x64xf32, #tpu.memory_space<vmem>> -> memref<16x64xf32, #tpu.memory_space<vmem>>
      tpu.enqueue_dma source(%dma_start3A_377 : memref<16x64xf32, #tpu.memory_space<vmem>>) target(%dma_start3A_374 : memref<16x64xf32, #tpu.memory_space<vmem_shared>>) target_semaphore(%arg13 : memref<!tpu.dma_semaphore, #tpu.memory_space<semaphore_mem>>)
      %add3A_378 = arith.constant 0 : i32
      %add3A_379 = arith.addi %mul3A_2, %add3A_378 : i32
      %dma_wait3A_380 = arith.constant 0 : i32
      %dma_wait3A_381 = tpu.memref_slice %arg10[%add3A_379, %dma_wait3A_380] : memref<10000x64xf32, #tpu.memory_space<vmem_shared>> -> memref<128x64xf32, #tpu.memory_space<vmem_shared>>
      %dma_wait3A_382 = arith.constant 0 : i32
      %dma_wait3A_383 = tpu.memref_slice %arg10[%add3A_379, %dma_wait3A_382] : memref<10000x64xf32, #tpu.memory_space<vmem_shared>> -> memref<128x64xf32, #tpu.memory_space<vmem_shared>>
      tpu.wait_dma2 semaphore(%arg13 : memref<!tpu.dma_semaphore, #tpu.memory_space<semaphore_mem>>) src(%arg7 : memref<128x64xf32, #tpu.memory_space<vmem>>) dst(%dma_wait3A_383 : memref<128x64xf32, #tpu.memory_space<vmem_shared>>)
      %add3A_384 = arith.constant 128 : i32
      %add3A_385 = arith.addi %mul3A_2, %add3A_384 : i32
      %dma_wait3A_386 = arith.constant 0 : i32
      %dma_wait3A_387 = tpu.memref_slice %arg10[%add3A_385, %dma_wait3A_386] : memref<10000x64xf32, #tpu.memory_space<vmem_shared>> -> memref<128x64xf32, #tpu.memory_space<vmem_shared>>
      %dma_wait3A_388 = arith.constant 0 : i32
      %dma_wait3A_389 = tpu.memref_slice %arg10[%add3A_385, %dma_wait3A_388] : memref<10000x64xf32, #tpu.memory_space<vmem_shared>> -> memref<128x64xf32, #tpu.memory_space<vmem_shared>>
      tpu.wait_dma2 semaphore(%arg13 : memref<!tpu.dma_semaphore, #tpu.memory_space<semaphore_mem>>) src(%arg7 : memref<128x64xf32, #tpu.memory_space<vmem>>) dst(%dma_wait3A_389 : memref<128x64xf32, #tpu.memory_space<vmem_shared>>)
      %add3A_390 = arith.constant 256 : i32
      %add3A_391 = arith.addi %mul3A_2, %add3A_390 : i32
      %dma_wait3A_392 = arith.constant 0 : i32
      %dma_wait3A_393 = tpu.memref_slice %arg10[%add3A_391, %dma_wait3A_392] : memref<10000x64xf32, #tpu.memory_space<vmem_shared>> -> memref<128x64xf32, #tpu.memory_space<vmem_shared>>
      %dma_wait3A_394 = arith.constant 0 : i32
      %dma_wait3A_395 = tpu.memref_slice %arg10[%add3A_391, %dma_wait3A_394] : memref<10000x64xf32, #tpu.memory_space<vmem_shared>> -> memref<128x64xf32, #tpu.memory_space<vmem_shared>>
      tpu.wait_dma2 semaphore(%arg13 : memref<!tpu.dma_semaphore, #tpu.memory_space<semaphore_mem>>) src(%arg7 : memref<128x64xf32, #tpu.memory_space<vmem>>) dst(%dma_wait3A_395 : memref<128x64xf32, #tpu.memory_space<vmem_shared>>)
      %add3A_396 = arith.constant 384 : i32
      %add3A_397 = arith.addi %mul3A_2, %add3A_396 : i32
      %dma_wait3A_398 = arith.constant 0 : i32
      %dma_wait3A_399 = arith.constant 0 : i32
      %dma_wait3A_400 = tpu.memref_slice %arg7[%dma_wait3A_398, %dma_wait3A_399] : memref<128x64xf32, #tpu.memory_space<vmem>> -> memref<16x64xf32, #tpu.memory_space<vmem>>
      %dma_wait3A_401 = arith.constant 0 : i32
      %dma_wait3A_402 = tpu.memref_slice %arg10[%add3A_397, %dma_wait3A_401] : memref<10000x64xf32, #tpu.memory_space<vmem_shared>> -> memref<16x64xf32, #tpu.memory_space<vmem_shared>>
      %dma_wait3A_403 = arith.constant 0 : i32
      %dma_wait3A_404 = tpu.memref_slice %arg10[%add3A_397, %dma_wait3A_403] : memref<10000x64xf32, #tpu.memory_space<vmem_shared>> -> memref<16x64xf32, #tpu.memory_space<vmem_shared>>
      %dma_wait3A_405 = arith.constant 0 : i32
      %dma_wait3A_406 = arith.constant 0 : i32
      %dma_wait3A_407 = tpu.memref_slice %arg7[%dma_wait3A_405, %dma_wait3A_406] : memref<128x64xf32, #tpu.memory_space<vmem>> -> memref<16x64xf32, #tpu.memory_space<vmem>>
      tpu.wait_dma2 semaphore(%arg13 : memref<!tpu.dma_semaphore, #tpu.memory_space<semaphore_mem>>) src(%dma_wait3A_407 : memref<16x64xf32, #tpu.memory_space<vmem>>) dst(%dma_wait3A_404 : memref<16x64xf32, #tpu.memory_space<vmem_shared>>)
    } else {
    }
    %barrier3A = arith.constant 0 : index
    tpu.barrier barrier_id(%barrier3A)
    %scan3A_232 = arith.constant 0 : i32
    %scan3A_233 = arith.constant 0 : i32
    %scan3A_234 = arith.constant 26 : i32
    %scan3A_235 = arith.addi %scan3A_233, %scan3A_234 : i32
    %scan3A_236 = arith.constant 1 : i32
    scf.for %scan3A_348 = %scan3A_233 to %scan3A_235 step %scan3A_236  : i32 {
      %mul3A_349 = arith.constant 6 : i32
      %mul3A_350 = arith.muli %scan3A_348, %mul3A_349 : i32
      %add3A_351 = arith.constant 0 : i32
      %add3A_352 = arith.addi %mul3A_350, %add3A_351 : i32
      %add3A_353 = arith.addi %mul3A_4, %add3A_352 : i32
      %mul3A_354 = arith.constant 128 : i32
      %mul3A_355 = arith.muli %add3A_353, %mul3A_354 : i32
      %dma_wait3A_356 = arith.constant 0 : i32
      %dma_wait3A_357 = arith.constant 0 : i32
      %dma_wait3A_358 = arith.constant 0 : i32
      %dma_wait3A_359 = arith.constant 0 : i32
      %dma_wait3A_360 = tpu.memref_slice %arg5[%dma_wait3A_357, %dma_wait3A_359] : memref<6x128xi32, #tpu.memory_space<vmem>> -> memref<1x128xi32, #tpu.memory_space<vmem>>
      %dma_wait3A_361 = tpu.memref_squeeze %dma_wait3A_360 : memref<1x128xi32, #tpu.memory_space<vmem>> -> memref<128xi32, #tpu.memory_space<vmem>>
      %dma_wait3A_362 = tpu.memref_slice %arg2[%dma_wait3A_356, %mul3A_355] : memref<2x320000xi32, #tpu.memory_space<hbm>> -> memref<1x128xi32, #tpu.memory_space<hbm>>
      %dma_wait3A_363 = tpu.memref_squeeze %dma_wait3A_362 : memref<1x128xi32, #tpu.memory_space<hbm>> -> memref<128xi32, #tpu.memory_space<hbm>>
      %dma_wait3A_364 = tpu.memref_slice %arg11[%dma_wait3A_358] : memref<6x!tpu.dma_semaphore, #tpu.memory_space<semaphore_mem>> -> memref<1x!tpu.dma_semaphore, #tpu.memory_space<semaphore_mem>>
      %dma_wait3A_365 = tpu.memref_squeeze %dma_wait3A_364 : memref<1x!tpu.dma_semaphore, #tpu.memory_space<semaphore_mem>> -> memref<!tpu.dma_semaphore, #tpu.memory_space<semaphore_mem>>
      %dma_wait3A_366 = arith.constant 0 : i32
      %dma_wait3A_367 = tpu.memref_slice %arg5[%dma_wait3A_357, %dma_wait3A_366] : memref<6x128xi32, #tpu.memory_space<vmem>> -> memref<1x128xi32, #tpu.memory_space<vmem>>
      %dma_wait3A_368 = tpu.memref_squeeze %dma_wait3A_367 : memref<1x128xi32, #tpu.memory_space<vmem>> -> memref<128xi32, #tpu.memory_space<vmem>>
      %dma_wait3A_369 = tpu.memref_slice %arg2[%dma_wait3A_356, %mul3A_355] : memref<2x320000xi32, #tpu.memory_space<hbm>> -> memref<1x128xi32, #tpu.memory_space<hbm>>
      %dma_wait3A_370 = tpu.memref_squeeze %dma_wait3A_369 : memref<1x128xi32, #tpu.memory_space<hbm>> -> memref<128xi32, #tpu.memory_space<hbm>>
      tpu.wait_dma2 semaphore(%dma_wait3A_365 : memref<!tpu.dma_semaphore, #tpu.memory_space<semaphore_mem>>) src(%dma_wait3A_370 : memref<128xi32, #tpu.memory_space<hbm>>) dst(%dma_wait3A_368 : memref<128xi32, #tpu.memory_space<vmem>>)
      %mul3A_371 = arith.constant 128 : i32
      %mul3A_372 = arith.muli %add3A_353, %mul3A_371 : i32
      %dma_wait3A_373 = arith.constant 0 : i32
      %dma_wait3A_374 = arith.constant 0 : i32
      %dma_wait3A_375 = arith.constant 0 : i32
      %dma_wait3A_376 = arith.constant 0 : i32
      %dma_wait3A_377 = tpu.memref_slice %arg6[%dma_wait3A_373, %dma_wait3A_375, %dma_wait3A_376] : memref<6x128x64xf32, #tpu.memory_space<vmem>> -> memref<1x128x64xf32, #tpu.memory_space<vmem>>
      %dma_wait3A_378 = tpu.memref_squeeze %dma_wait3A_377 : memref<1x128x64xf32, #tpu.memory_space<vmem>> -> memref<128x64xf32, #tpu.memory_space<vmem>>
      %dma_wait3A_379 = tpu.memref_slice %arg3[%mul3A_372, %mul3A_0] : memref<320000x128xf32, #tpu.memory_space<hbm>> -> memref<128x64xf32, #tpu.memory_space<hbm>>
      %dma_wait3A_380 = tpu.memref_slice %arg11[%dma_wait3A_374] : memref<6x!tpu.dma_semaphore, #tpu.memory_space<semaphore_mem>> -> memref<1x!tpu.dma_semaphore, #tpu.memory_space<semaphore_mem>>
      %dma_wait3A_381 = tpu.memref_squeeze %dma_wait3A_380 : memref<1x!tpu.dma_semaphore, #tpu.memory_space<semaphore_mem>> -> memref<!tpu.dma_semaphore, #tpu.memory_space<semaphore_mem>>
      %dma_wait3A_382 = arith.constant 0 : i32
      %dma_wait3A_383 = arith.constant 0 : i32
      %dma_wait3A_384 = tpu.memref_slice %arg6[%dma_wait3A_373, %dma_wait3A_382, %dma_wait3A_383] : memref<6x128x64xf32, #tpu.memory_space<vmem>> -> memref<1x128x64xf32, #tpu.memory_space<vmem>>
      %dma_wait3A_385 = tpu.memref_squeeze %dma_wait3A_384 : memref<1x128x64xf32, #tpu.memory_space<vmem>> -> memref<128x64xf32, #tpu.memory_space<vmem>>
      %dma_wait3A_386 = tpu.memref_slice %arg3[%mul3A_372, %mul3A_0] : memref<320000x128xf32, #tpu.memory_space<hbm>> -> memref<128x64xf32, #tpu.memory_space<hbm>>
      tpu.wait_dma2 semaphore(%dma_wait3A_381 : memref<!tpu.dma_semaphore, #tpu.memory_space<semaphore_mem>>) src(%dma_wait3A_386 : memref<128x64xf32, #tpu.memory_space<hbm>>) dst(%dma_wait3A_385 : memref<128x64xf32, #tpu.memory_space<vmem>>)
      %dma_start3A_387 = arith.constant 0 : i32
      %dma_start3A_388 = arith.constant 0 : i32
      %dma_start3A_389 = arith.constant 0 : i32
      %dma_start3A_390 = arith.constant 0 : i32
      %dma_start3A_391 = arith.constant 0 : i32
      %dma_start3A_392 = tpu.memref_slice %arg6[%dma_start3A_387, %dma_start3A_390, %dma_start3A_391] : memref<6x128x64xf32, #tpu.memory_space<vmem>> -> memref<1x128x64xf32, #tpu.memory_space<vmem>>
      %dma_start3A_393 = tpu.memref_squeeze %dma_start3A_392 : memref<1x128x64xf32, #tpu.memory_space<vmem>> -> memref<128x64xf32, #tpu.memory_space<vmem>>
      %dma_start3A_394 = arith.constant 0 : i32
      %dma_start3A_395 = tpu.memref_slice %arg5[%dma_start3A_388, %dma_start3A_394] : memref<6x128xi32, #tpu.memory_space<vmem>> -> memref<1x128xi32, #tpu.memory_space<vmem>>
      %dma_start3A_396 = tpu.memref_squeeze %dma_start3A_395 : memref<1x128xi32, #tpu.memory_space<vmem>> -> memref<128xi32, #tpu.memory_space<vmem>>
      %dma_start3A_397 = arith.constant 0 : i32
      %dma_start3A_398 = arith.constant 0 : i32
      %dma_start3A_399 = tpu.memref_slice %arg10[%dma_start3A_397, %dma_start3A_398] : memref<10000x64xf32, #tpu.memory_space<vmem_shared>> -> memref<10000x64xf32, #tpu.memory_space<vmem_shared>>
      %dma_start3A_400 = tpu.memref_slice %arg12[%dma_start3A_389] : memref<6x!tpu.dma_semaphore, #tpu.memory_space<semaphore_mem>> -> memref<1x!tpu.dma_semaphore, #tpu.memory_space<semaphore_mem>>
      %dma_start3A_401 = tpu.memref_squeeze %dma_start3A_400 : memref<1x!tpu.dma_semaphore, #tpu.memory_space<semaphore_mem>> -> memref<!tpu.dma_semaphore, #tpu.memory_space<semaphore_mem>>
      tpu.enqueue_indirect_dma source(%dma_start3A_393 : memref<128x64xf32, #tpu.memory_space<vmem>>) target(%dma_start3A_399 : memref<10000x64xf32, #tpu.memory_space<vmem_shared>>) offsets(%dma_start3A_396 : memref<128xi32, #tpu.memory_space<vmem>>) semaphore(%dma_start3A_401 : memref<!tpu.dma_semaphore, #tpu.memory_space<semaphore_mem>>) {add = true}
      %add3A_402 = arith.constant 1 : i32
      %add3A_403 = arith.addi %mul3A_350, %add3A_402 : i32
      %add3A_404 = arith.addi %mul3A_4, %add3A_403 : i32
      %mul3A_405 = arith.constant 128 : i32
      %mul3A_406 = arith.muli %add3A_404, %mul3A_405 : i32
      %dma_wait3A_407 = arith.constant 0 : i32
      %dma_wait3A_408 = arith.constant 1 : i32
      %dma_wait3A_409 = arith.constant 1 : i32
      %dma_wait3A_410 = arith.constant 0 : i32
      %dma_wait3A_411 = tpu.memref_slice %arg5[%dma_wait3A_408, %dma_wait3A_410] : memref<6x128xi32, #tpu.memory_space<vmem>> -> memref<1x128xi32, #tpu.memory_space<vmem>>
      %dma_wait3A_412 = tpu.memref_squeeze %dma_wait3A_411 : memref<1x128xi32, #tpu.memory_space<vmem>> -> memref<128xi32, #tpu.memory_space<vmem>>
      %dma_wait3A_413 = tpu.memref_slice %arg2[%dma_wait3A_407, %mul3A_406] : memref<2x320000xi32, #tpu.memory_space<hbm>> -> memref<1x128xi32, #tpu.memory_space<hbm>>
      %dma_wait3A_414 = tpu.memref_squeeze %dma_wait3A_413 : memref<1x128xi32, #tpu.memory_space<hbm>> -> memref<128xi32, #tpu.memory_space<hbm>>
      %dma_wait3A_415 = tpu.memref_slice %arg11[%dma_wait3A_409] : memref<6x!tpu.dma_semaphore, #tpu.memory_space<semaphore_mem>> -> memref<1x!tpu.dma_semaphore, #tpu.memory_space<semaphore_mem>>
      %dma_wait3A_416 = tpu.memref_squeeze %dma_wait3A_415 : memref<1x!tpu.dma_semaphore, #tpu.memory_space<semaphore_mem>> -> memref<!tpu.dma_semaphore, #tpu.memory_space<semaphore_mem>>
      %dma_wait3A_417 = arith.constant 0 : i32
      %dma_wait3A_418 = tpu.memref_slice %arg5[%dma_wait3A_408, %dma_wait3A_417] : memref<6x128xi32, #tpu.memory_space<vmem>> -> memref<1x128xi32, #tpu.memory_space<vmem>>
      %dma_wait3A_419 = tpu.memref_squeeze %dma_wait3A_418 : memref<1x128xi32, #tpu.memory_space<vmem>> -> memref<128xi32, #tpu.memory_space<vmem>>
      %dma_wait3A_420 = tpu.memref_slice %arg2[%dma_wait3A_407, %mul3A_406] : memref<2x320000xi32, #tpu.memory_space<hbm>> -> memref<1x128xi32, #tpu.memory_space<hbm>>
      %dma_wait3A_421 = tpu.memref_squeeze %dma_wait3A_420 : memref<1x128xi32, #tpu.memory_space<hbm>> -> memref<128xi32, #tpu.memory_space<hbm>>
      tpu.wait_dma2 semaphore(%dma_wait3A_416 : memref<!tpu.dma_semaphore, #tpu.memory_space<semaphore_mem>>) src(%dma_wait3A_421 : memref<128xi32, #tpu.memory_space<hbm>>) dst(%dma_wait3A_419 : memref<128xi32, #tpu.memory_space<vmem>>)
      %mul3A_422 = arith.constant 128 : i32
      %mul3A_423 = arith.muli %add3A_404, %mul3A_422 : i32
      %dma_wait3A_424 = arith.constant 1 : i32
      %dma_wait3A_425 = arith.constant 1 : i32
      %dma_wait3A_426 = arith.constant 0 : i32
      %dma_wait3A_427 = arith.constant 0 : i32
      %dma_wait3A_428 = tpu.memref_slice %arg6[%dma_wait3A_424, %dma_wait3A_426, %dma_wait3A_427] : memref<6x128x64xf32, #tpu.memory_space<vmem>> -> memref<1x128x64xf32, #tpu.memory_space<vmem>>
      %dma_wait3A_429 = tpu.memref_squeeze %dma_wait3A_428 : memref<1x128x64xf32, #tpu.memory_space<vmem>> -> memref<128x64xf32, #tpu.memory_space<vmem>>
      %dma_wait3A_430 = tpu.memref_slice %arg3[%mul3A_423, %mul3A_0] : memref<320000x128xf32, #tpu.memory_space<hbm>> -> memref<128x64xf32, #tpu.memory_space<hbm>>
      %dma_wait3A_431 = tpu.memref_slice %arg11[%dma_wait3A_425] : memref<6x!tpu.dma_semaphore, #tpu.memory_space<semaphore_mem>> -> memref<1x!tpu.dma_semaphore, #tpu.memory_space<semaphore_mem>>
      %dma_wait3A_432 = tpu.memref_squeeze %dma_wait3A_431 : memref<1x!tpu.dma_semaphore, #tpu.memory_space<semaphore_mem>> -> memref<!tpu.dma_semaphore, #tpu.memory_space<semaphore_mem>>
      %dma_wait3A_433 = arith.constant 0 : i32
      %dma_wait3A_434 = arith.constant 0 : i32
      %dma_wait3A_435 = tpu.memref_slice %arg6[%dma_wait3A_424, %dma_wait3A_433, %dma_wait3A_434] : memref<6x128x64xf32, #tpu.memory_space<vmem>> -> memref<1x128x64xf32, #tpu.memory_space<vmem>>
      %dma_wait3A_436 = tpu.memref_squeeze %dma_wait3A_435 : memref<1x128x64xf32, #tpu.memory_space<vmem>> -> memref<128x64xf32, #tpu.memory_space<vmem>>
      %dma_wait3A_437 = tpu.memref_slice %arg3[%mul3A_423, %mul3A_0] : memref<320000x128xf32, #tpu.memory_space<hbm>> -> memref<128x64xf32, #tpu.memory_space<hbm>>
      tpu.wait_dma2 semaphore(%dma_wait3A_432 : memref<!tpu.dma_semaphore, #tpu.memory_space<semaphore_mem>>) src(%dma_wait3A_437 : memref<128x64xf32, #tpu.memory_space<hbm>>) dst(%dma_wait3A_436 : memref<128x64xf32, #tpu.memory_space<vmem>>)
      %dma_start3A_438 = arith.constant 1 : i32
      %dma_start3A_439 = arith.constant 1 : i32
      %dma_start3A_440 = arith.constant 1 : i32
      %dma_start3A_441 = arith.constant 0 : i32
      %dma_start3A_442 = arith.constant 0 : i32
      %dma_start3A_443 = tpu.memref_slice %arg6[%dma_start3A_438, %dma_start3A_441, %dma_start3A_442] : memref<6x128x64xf32, #tpu.memory_space<vmem>> -> memref<1x128x64xf32, #tpu.memory_space<vmem>>
      %dma_start3A_444 = tpu.memref_squeeze %dma_start3A_443 : memref<1x128x64xf32, #tpu.memory_space<vmem>> -> memref<128x64xf32, #tpu.memory_space<vmem>>
      %dma_start3A_445 = arith.constant 0 : i32
      %dma_start3A_446 = tpu.memref_slice %arg5[%dma_start3A_439, %dma_start3A_445] : memref<6x128xi32, #tpu.memory_space<vmem>> -> memref<1x128xi32, #tpu.memory_space<vmem>>
      %dma_start3A_447 = tpu.memref_squeeze %dma_start3A_446 : memref<1x128xi32, #tpu.memory_space<vmem>> -> memref<128xi32, #tpu.memory_space<vmem>>
      %dma_start3A_448 = arith.constant 0 : i32
      %dma_start3A_449 = arith.constant 0 : i32
      %dma_start3A_450 = tpu.memref_slice %arg10[%dma_start3A_448, %dma_start3A_449] : memref<10000x64xf32, #tpu.memory_space<vmem_shared>> -> memref<10000x64xf32, #tpu.memory_space<vmem_shared>>
      %dma_start3A_451 = tpu.memref_slice %arg12[%dma_start3A_440] : memref<6x!tpu.dma_semaphore, #tpu.memory_space<semaphore_mem>> -> memref<1x!tpu.dma_semaphore, #tpu.memory_space<semaphore_mem>>
      %dma_start3A_452 = tpu.memref_squeeze %dma_start3A_451 : memref<1x!tpu.dma_semaphore, #tpu.memory_space<semaphore_mem>> -> memref<!tpu.dma_semaphore, #tpu.memory_space<semaphore_mem>>
      tpu.enqueue_indirect_dma source(%dma_start3A_444 : memref<128x64xf32, #tpu.memory_space<vmem>>) target(%dma_start3A_450 : memref<10000x64xf32, #tpu.memory_space<vmem_shared>>) offsets(%dma_start3A_447 : memref<128xi32, #tpu.memory_space<vmem>>) semaphore(%dma_start3A_452 : memref<!tpu.dma_semaphore, #tpu.memory_space<semaphore_mem>>) {add = true}
      %add3A_453 = arith.constant 2 : i32
      %add3A_454 = arith.addi %mul3A_350, %add3A_453 : i32
      %add3A_455 = arith.addi %mul3A_4, %add3A_454 : i32
      %mul3A_456 = arith.constant 128 : i32
      %mul3A_457 = arith.muli %add3A_455, %mul3A_456 : i32
      %dma_wait3A_458 = arith.constant 0 : i32
      %dma_wait3A_459 = arith.constant 2 : i32
      %dma_wait3A_460 = arith.constant 2 : i32
      %dma_wait3A_461 = arith.constant 0 : i32
      %dma_wait3A_462 = tpu.memref_slice %arg5[%dma_wait3A_459, %dma_wait3A_461] : memref<6x128xi32, #tpu.memory_space<vmem>> -> memref<1x128xi32, #tpu.memory_space<vmem>>
      %dma_wait3A_463 = tpu.memref_squeeze %dma_wait3A_462 : memref<1x128xi32, #tpu.memory_space<vmem>> -> memref<128xi32, #tpu.memory_space<vmem>>
      %dma_wait3A_464 = tpu.memref_slice %arg2[%dma_wait3A_458, %mul3A_457] : memref<2x320000xi32, #tpu.memory_space<hbm>> -> memref<1x128xi32, #tpu.memory_space<hbm>>
      %dma_wait3A_465 = tpu.memref_squeeze %dma_wait3A_464 : memref<1x128xi32, #tpu.memory_space<hbm>> -> memref<128xi32, #tpu.memory_space<hbm>>
      %dma_wait3A_466 = tpu.memref_slice %arg11[%dma_wait3A_460] : memref<6x!tpu.dma_semaphore, #tpu.memory_space<semaphore_mem>> -> memref<1x!tpu.dma_semaphore, #tpu.memory_space<semaphore_mem>>
      %dma_wait3A_467 = tpu.memref_squeeze %dma_wait3A_466 : memref<1x!tpu.dma_semaphore, #tpu.memory_space<semaphore_mem>> -> memref<!tpu.dma_semaphore, #tpu.memory_space<semaphore_mem>>
      %dma_wait3A_468 = arith.constant 0 : i32
      %dma_wait3A_469 = tpu.memref_slice %arg5[%dma_wait3A_459, %dma_wait3A_468] : memref<6x128xi32, #tpu.memory_space<vmem>> -> memref<1x128xi32, #tpu.memory_space<vmem>>
      %dma_wait3A_470 = tpu.memref_squeeze %dma_wait3A_469 : memref<1x128xi32, #tpu.memory_space<vmem>> -> memref<128xi32, #tpu.memory_space<vmem>>
      %dma_wait3A_471 = tpu.memref_slice %arg2[%dma_wait3A_458, %mul3A_457] : memref<2x320000xi32, #tpu.memory_space<hbm>> -> memref<1x128xi32, #tpu.memory_space<hbm>>
      %dma_wait3A_472 = tpu.memref_squeeze %dma_wait3A_471 : memref<1x128xi32, #tpu.memory_space<hbm>> -> memref<128xi32, #tpu.memory_space<hbm>>
      tpu.wait_dma2 semaphore(%dma_wait3A_467 : memref<!tpu.dma_semaphore, #tpu.memory_space<semaphore_mem>>) src(%dma_wait3A_472 : memref<128xi32, #tpu.memory_space<hbm>>) dst(%dma_wait3A_470 : memref<128xi32, #tpu.memory_space<vmem>>)
      %mul3A_473 = arith.constant 128 : i32
      %mul3A_474 = arith.muli %add3A_455, %mul3A_473 : i32
      %dma_wait3A_475 = arith.constant 2 : i32
      %dma_wait3A_476 = arith.constant 2 : i32
      %dma_wait3A_477 = arith.constant 0 : i32
      %dma_wait3A_478 = arith.constant 0 : i32
      %dma_wait3A_479 = tpu.memref_slice %arg6[%dma_wait3A_475, %dma_wait3A_477, %dma_wait3A_478] : memref<6x128x64xf32, #tpu.memory_space<vmem>> -> memref<1x128x64xf32, #tpu.memory_space<vmem>>
      %dma_wait3A_480 = tpu.memref_squeeze %dma_wait3A_479 : memref<1x128x64xf32, #tpu.memory_space<vmem>> -> memref<128x64xf32, #tpu.memory_space<vmem>>
      %dma_wait3A_481 = tpu.memref_slice %arg3[%mul3A_474, %mul3A_0] : memref<320000x128xf32, #tpu.memory_space<hbm>> -> memref<128x64xf32, #tpu.memory_space<hbm>>
      %dma_wait3A_482 = tpu.memref_slice %arg11[%dma_wait3A_476] : memref<6x!tpu.dma_semaphore, #tpu.memory_space<semaphore_mem>> -> memref<1x!tpu.dma_semaphore, #tpu.memory_space<semaphore_mem>>
      %dma_wait3A_483 = tpu.memref_squeeze %dma_wait3A_482 : memref<1x!tpu.dma_semaphore, #tpu.memory_space<semaphore_mem>> -> memref<!tpu.dma_semaphore, #tpu.memory_space<semaphore_mem>>
      %dma_wait3A_484 = arith.constant 0 : i32
      %dma_wait3A_485 = arith.constant 0 : i32
      %dma_wait3A_486 = tpu.memref_slice %arg6[%dma_wait3A_475, %dma_wait3A_484, %dma_wait3A_485] : memref<6x128x64xf32, #tpu.memory_space<vmem>> -> memref<1x128x64xf32, #tpu.memory_space<vmem>>
      %dma_wait3A_487 = tpu.memref_squeeze %dma_wait3A_486 : memref<1x128x64xf32, #tpu.memory_space<vmem>> -> memref<128x64xf32, #tpu.memory_space<vmem>>
      %dma_wait3A_488 = tpu.memref_slice %arg3[%mul3A_474, %mul3A_0] : memref<320000x128xf32, #tpu.memory_space<hbm>> -> memref<128x64xf32, #tpu.memory_space<hbm>>
      tpu.wait_dma2 semaphore(%dma_wait3A_483 : memref<!tpu.dma_semaphore, #tpu.memory_space<semaphore_mem>>) src(%dma_wait3A_488 : memref<128x64xf32, #tpu.memory_space<hbm>>) dst(%dma_wait3A_487 : memref<128x64xf32, #tpu.memory_space<vmem>>)
      %dma_start3A_489 = arith.constant 2 : i32
      %dma_start3A_490 = arith.constant 2 : i32
      %dma_start3A_491 = arith.constant 2 : i32
      %dma_start3A_492 = arith.constant 0 : i32
      %dma_start3A_493 = arith.constant 0 : i32
      %dma_start3A_494 = tpu.memref_slice %arg6[%dma_start3A_489, %dma_start3A_492, %dma_start3A_493] : memref<6x128x64xf32, #tpu.memory_space<vmem>> -> memref<1x128x64xf32, #tpu.memory_space<vmem>>
      %dma_start3A_495 = tpu.memref_squeeze %dma_start3A_494 : memref<1x128x64xf32, #tpu.memory_space<vmem>> -> memref<128x64xf32, #tpu.memory_space<vmem>>
      %dma_start3A_496 = arith.constant 0 : i32
      %dma_start3A_497 = tpu.memref_slice %arg5[%dma_start3A_490, %dma_start3A_496] : memref<6x128xi32, #tpu.memory_space<vmem>> -> memref<1x128xi32, #tpu.memory_space<vmem>>
      %dma_start3A_498 = tpu.memref_squeeze %dma_start3A_497 : memref<1x128xi32, #tpu.memory_space<vmem>> -> memref<128xi32, #tpu.memory_space<vmem>>
      %dma_start3A_499 = arith.constant 0 : i32
      %dma_start3A_500 = arith.constant 0 : i32
      %dma_start3A_501 = tpu.memref_slice %arg10[%dma_start3A_499, %dma_start3A_500] : memref<10000x64xf32, #tpu.memory_space<vmem_shared>> -> memref<10000x64xf32, #tpu.memory_space<vmem_shared>>
      %dma_start3A_502 = tpu.memref_slice %arg12[%dma_start3A_491] : memref<6x!tpu.dma_semaphore, #tpu.memory_space<semaphore_mem>> -> memref<1x!tpu.dma_semaphore, #tpu.memory_space<semaphore_mem>>
      %dma_start3A_503 = tpu.memref_squeeze %dma_start3A_502 : memref<1x!tpu.dma_semaphore, #tpu.memory_space<semaphore_mem>> -> memref<!tpu.dma_semaphore, #tpu.memory_space<semaphore_mem>>
      tpu.enqueue_indirect_dma source(%dma_start3A_495 : memref<128x64xf32, #tpu.memory_space<vmem>>) target(%dma_start3A_501 : memref<10000x64xf32, #tpu.memory_space<vmem_shared>>) offsets(%dma_start3A_498 : memref<128xi32, #tpu.memory_space<vmem>>) semaphore(%dma_start3A_503 : memref<!tpu.dma_semaphore, #tpu.memory_space<semaphore_mem>>) {add = true}
      %add3A_504 = arith.constant 3 : i32
      %add3A_505 = arith.addi %mul3A_350, %add3A_504 : i32
      %add3A_506 = arith.addi %mul3A_4, %add3A_505 : i32
      %mul3A_507 = arith.constant 128 : i32
      %mul3A_508 = arith.muli %add3A_506, %mul3A_507 : i32
      %dma_wait3A_509 = arith.constant 0 : i32
      %dma_wait3A_510 = arith.constant 3 : i32
      %dma_wait3A_511 = arith.constant 3 : i32
      %dma_wait3A_512 = arith.constant 0 : i32
      %dma_wait3A_513 = tpu.memref_slice %arg5[%dma_wait3A_510, %dma_wait3A_512] : memref<6x128xi32, #tpu.memory_space<vmem>> -> memref<1x128xi32, #tpu.memory_space<vmem>>
      %dma_wait3A_514 = tpu.memref_squeeze %dma_wait3A_513 : memref<1x128xi32, #tpu.memory_space<vmem>> -> memref<128xi32, #tpu.memory_space<vmem>>
      %dma_wait3A_515 = tpu.memref_slice %arg2[%dma_wait3A_509, %mul3A_508] : memref<2x320000xi32, #tpu.memory_space<hbm>> -> memref<1x128xi32, #tpu.memory_space<hbm>>
      %dma_wait3A_516 = tpu.memref_squeeze %dma_wait3A_515 : memref<1x128xi32, #tpu.memory_space<hbm>> -> memref<128xi32, #tpu.memory_space<hbm>>
      %dma_wait3A_517 = tpu.memref_slice %arg11[%dma_wait3A_511] : memref<6x!tpu.dma_semaphore, #tpu.memory_space<semaphore_mem>> -> memref<1x!tpu.dma_semaphore, #tpu.memory_space<semaphore_mem>>
      %dma_wait3A_518 = tpu.memref_squeeze %dma_wait3A_517 : memref<1x!tpu.dma_semaphore, #tpu.memory_space<semaphore_mem>> -> memref<!tpu.dma_semaphore, #tpu.memory_space<semaphore_mem>>
      %dma_wait3A_519 = arith.constant 0 : i32
      %dma_wait3A_520 = tpu.memref_slice %arg5[%dma_wait3A_510, %dma_wait3A_519] : memref<6x128xi32, #tpu.memory_space<vmem>> -> memref<1x128xi32, #tpu.memory_space<vmem>>
      %dma_wait3A_521 = tpu.memref_squeeze %dma_wait3A_520 : memref<1x128xi32, #tpu.memory_space<vmem>> -> memref<128xi32, #tpu.memory_space<vmem>>
      %dma_wait3A_522 = tpu.memref_slice %arg2[%dma_wait3A_509, %mul3A_508] : memref<2x320000xi32, #tpu.memory_space<hbm>> -> memref<1x128xi32, #tpu.memory_space<hbm>>
      %dma_wait3A_523 = tpu.memref_squeeze %dma_wait3A_522 : memref<1x128xi32, #tpu.memory_space<hbm>> -> memref<128xi32, #tpu.memory_space<hbm>>
      tpu.wait_dma2 semaphore(%dma_wait3A_518 : memref<!tpu.dma_semaphore, #tpu.memory_space<semaphore_mem>>) src(%dma_wait3A_523 : memref<128xi32, #tpu.memory_space<hbm>>) dst(%dma_wait3A_521 : memref<128xi32, #tpu.memory_space<vmem>>)
      %mul3A_524 = arith.constant 128 : i32
      %mul3A_525 = arith.muli %add3A_506, %mul3A_524 : i32
      %dma_wait3A_526 = arith.constant 3 : i32
      %dma_wait3A_527 = arith.constant 3 : i32
      %dma_wait3A_528 = arith.constant 0 : i32
      %dma_wait3A_529 = arith.constant 0 : i32
      %dma_wait3A_530 = tpu.memref_slice %arg6[%dma_wait3A_526, %dma_wait3A_528, %dma_wait3A_529] : memref<6x128x64xf32, #tpu.memory_space<vmem>> -> memref<1x128x64xf32, #tpu.memory_space<vmem>>
      %dma_wait3A_531 = tpu.memref_squeeze %dma_wait3A_530 : memref<1x128x64xf32, #tpu.memory_space<vmem>> -> memref<128x64xf32, #tpu.memory_space<vmem>>
      %dma_wait3A_532 = tpu.memref_slice %arg3[%mul3A_525, %mul3A_0] : memref<320000x128xf32, #tpu.memory_space<hbm>> -> memref<128x64xf32, #tpu.memory_space<hbm>>
      %dma_wait3A_533 = tpu.memref_slice %arg11[%dma_wait3A_527] : memref<6x!tpu.dma_semaphore, #tpu.memory_space<semaphore_mem>> -> memref<1x!tpu.dma_semaphore, #tpu.memory_space<semaphore_mem>>
      %dma_wait3A_534 = tpu.memref_squeeze %dma_wait3A_533 : memref<1x!tpu.dma_semaphore, #tpu.memory_space<semaphore_mem>> -> memref<!tpu.dma_semaphore, #tpu.memory_space<semaphore_mem>>
      %dma_wait3A_535 = arith.constant 0 : i32
      %dma_wait3A_536 = arith.constant 0 : i32
      %dma_wait3A_537 = tpu.memref_slice %arg6[%dma_wait3A_526, %dma_wait3A_535, %dma_wait3A_536] : memref<6x128x64xf32, #tpu.memory_space<vmem>> -> memref<1x128x64xf32, #tpu.memory_space<vmem>>
      %dma_wait3A_538 = tpu.memref_squeeze %dma_wait3A_537 : memref<1x128x64xf32, #tpu.memory_space<vmem>> -> memref<128x64xf32, #tpu.memory_space<vmem>>
      %dma_wait3A_539 = tpu.memref_slice %arg3[%mul3A_525, %mul3A_0] : memref<320000x128xf32, #tpu.memory_space<hbm>> -> memref<128x64xf32, #tpu.memory_space<hbm>>
      tpu.wait_dma2 semaphore(%dma_wait3A_534 : memref<!tpu.dma_semaphore, #tpu.memory_space<semaphore_mem>>) src(%dma_wait3A_539 : memref<128x64xf32, #tpu.memory_space<hbm>>) dst(%dma_wait3A_538 : memref<128x64xf32, #tpu.memory_space<vmem>>)
      %dma_start3A_540 = arith.constant 3 : i32
      %dma_start3A_541 = arith.constant 3 : i32
      %dma_start3A_542 = arith.constant 3 : i32
      %dma_start3A_543 = arith.constant 0 : i32
      %dma_start3A_544 = arith.constant 0 : i32
      %dma_start3A_545 = tpu.memref_slice %arg6[%dma_start3A_540, %dma_start3A_543, %dma_start3A_544] : memref<6x128x64xf32, #tpu.memory_space<vmem>> -> memref<1x128x64xf32, #tpu.memory_space<vmem>>
      %dma_start3A_546 = tpu.memref_squeeze %dma_start3A_545 : memref<1x128x64xf32, #tpu.memory_space<vmem>> -> memref<128x64xf32, #tpu.memory_space<vmem>>
      %dma_start3A_547 = arith.constant 0 : i32
      %dma_start3A_548 = tpu.memref_slice %arg5[%dma_start3A_541, %dma_start3A_547] : memref<6x128xi32, #tpu.memory_space<vmem>> -> memref<1x128xi32, #tpu.memory_space<vmem>>
      %dma_start3A_549 = tpu.memref_squeeze %dma_start3A_548 : memref<1x128xi32, #tpu.memory_space<vmem>> -> memref<128xi32, #tpu.memory_space<vmem>>
      %dma_start3A_550 = arith.constant 0 : i32
      %dma_start3A_551 = arith.constant 0 : i32
      %dma_start3A_552 = tpu.memref_slice %arg10[%dma_start3A_550, %dma_start3A_551] : memref<10000x64xf32, #tpu.memory_space<vmem_shared>> -> memref<10000x64xf32, #tpu.memory_space<vmem_shared>>
      %dma_start3A_553 = tpu.memref_slice %arg12[%dma_start3A_542] : memref<6x!tpu.dma_semaphore, #tpu.memory_space<semaphore_mem>> -> memref<1x!tpu.dma_semaphore, #tpu.memory_space<semaphore_mem>>
      %dma_start3A_554 = tpu.memref_squeeze %dma_start3A_553 : memref<1x!tpu.dma_semaphore, #tpu.memory_space<semaphore_mem>> -> memref<!tpu.dma_semaphore, #tpu.memory_space<semaphore_mem>>
      tpu.enqueue_indirect_dma source(%dma_start3A_546 : memref<128x64xf32, #tpu.memory_space<vmem>>) target(%dma_start3A_552 : memref<10000x64xf32, #tpu.memory_space<vmem_shared>>) offsets(%dma_start3A_549 : memref<128xi32, #tpu.memory_space<vmem>>) semaphore(%dma_start3A_554 : memref<!tpu.dma_semaphore, #tpu.memory_space<semaphore_mem>>) {add = true}
      %add3A_555 = arith.constant 4 : i32
      %add3A_556 = arith.addi %mul3A_350, %add3A_555 : i32
      %add3A_557 = arith.addi %mul3A_4, %add3A_556 : i32
      %mul3A_558 = arith.constant 128 : i32
      %mul3A_559 = arith.muli %add3A_557, %mul3A_558 : i32
      %dma_wait3A_560 = arith.constant 0 : i32
      %dma_wait3A_561 = arith.constant 4 : i32
      %dma_wait3A_562 = arith.constant 4 : i32
      %dma_wait3A_563 = arith.constant 0 : i32
      %dma_wait3A_564 = tpu.memref_slice %arg5[%dma_wait3A_561, %dma_wait3A_563] : memref<6x128xi32, #tpu.memory_space<vmem>> -> memref<1x128xi32, #tpu.memory_space<vmem>>
      %dma_wait3A_565 = tpu.memref_squeeze %dma_wait3A_564 : memref<1x128xi32, #tpu.memory_space<vmem>> -> memref<128xi32, #tpu.memory_space<vmem>>
      %dma_wait3A_566 = tpu.memref_slice %arg2[%dma_wait3A_560, %mul3A_559] : memref<2x320000xi32, #tpu.memory_space<hbm>> -> memref<1x128xi32, #tpu.memory_space<hbm>>
      %dma_wait3A_567 = tpu.memref_squeeze %dma_wait3A_566 : memref<1x128xi32, #tpu.memory_space<hbm>> -> memref<128xi32, #tpu.memory_space<hbm>>
      %dma_wait3A_568 = tpu.memref_slice %arg11[%dma_wait3A_562] : memref<6x!tpu.dma_semaphore, #tpu.memory_space<semaphore_mem>> -> memref<1x!tpu.dma_semaphore, #tpu.memory_space<semaphore_mem>>
      %dma_wait3A_569 = tpu.memref_squeeze %dma_wait3A_568 : memref<1x!tpu.dma_semaphore, #tpu.memory_space<semaphore_mem>> -> memref<!tpu.dma_semaphore, #tpu.memory_space<semaphore_mem>>
      %dma_wait3A_570 = arith.constant 0 : i32
      %dma_wait3A_571 = tpu.memref_slice %arg5[%dma_wait3A_561, %dma_wait3A_570] : memref<6x128xi32, #tpu.memory_space<vmem>> -> memref<1x128xi32, #tpu.memory_space<vmem>>
      %dma_wait3A_572 = tpu.memref_squeeze %dma_wait3A_571 : memref<1x128xi32, #tpu.memory_space<vmem>> -> memref<128xi32, #tpu.memory_space<vmem>>
      %dma_wait3A_573 = tpu.memref_slice %arg2[%dma_wait3A_560, %mul3A_559] : memref<2x320000xi32, #tpu.memory_space<hbm>> -> memref<1x128xi32, #tpu.memory_space<hbm>>
      %dma_wait3A_574 = tpu.memref_squeeze %dma_wait3A_573 : memref<1x128xi32, #tpu.memory_space<hbm>> -> memref<128xi32, #tpu.memory_space<hbm>>
      tpu.wait_dma2 semaphore(%dma_wait3A_569 : memref<!tpu.dma_semaphore, #tpu.memory_space<semaphore_mem>>) src(%dma_wait3A_574 : memref<128xi32, #tpu.memory_space<hbm>>) dst(%dma_wait3A_572 : memref<128xi32, #tpu.memory_space<vmem>>)
      %mul3A_575 = arith.constant 128 : i32
      %mul3A_576 = arith.muli %add3A_557, %mul3A_575 : i32
      %dma_wait3A_577 = arith.constant 4 : i32
      %dma_wait3A_578 = arith.constant 4 : i32
      %dma_wait3A_579 = arith.constant 0 : i32
      %dma_wait3A_580 = arith.constant 0 : i32
      %dma_wait3A_581 = tpu.memref_slice %arg6[%dma_wait3A_577, %dma_wait3A_579, %dma_wait3A_580] : memref<6x128x64xf32, #tpu.memory_space<vmem>> -> memref<1x128x64xf32, #tpu.memory_space<vmem>>
      %dma_wait3A_582 = tpu.memref_squeeze %dma_wait3A_581 : memref<1x128x64xf32, #tpu.memory_space<vmem>> -> memref<128x64xf32, #tpu.memory_space<vmem>>
      %dma_wait3A_583 = tpu.memref_slice %arg3[%mul3A_576, %mul3A_0] : memref<320000x128xf32, #tpu.memory_space<hbm>> -> memref<128x64xf32, #tpu.memory_space<hbm>>
      %dma_wait3A_584 = tpu.memref_slice %arg11[%dma_wait3A_578] : memref<6x!tpu.dma_semaphore, #tpu.memory_space<semaphore_mem>> -> memref<1x!tpu.dma_semaphore, #tpu.memory_space<semaphore_mem>>
      %dma_wait3A_585 = tpu.memref_squeeze %dma_wait3A_584 : memref<1x!tpu.dma_semaphore, #tpu.memory_space<semaphore_mem>> -> memref<!tpu.dma_semaphore, #tpu.memory_space<semaphore_mem>>
      %dma_wait3A_586 = arith.constant 0 : i32
      %dma_wait3A_587 = arith.constant 0 : i32
      %dma_wait3A_588 = tpu.memref_slice %arg6[%dma_wait3A_577, %dma_wait3A_586, %dma_wait3A_587] : memref<6x128x64xf32, #tpu.memory_space<vmem>> -> memref<1x128x64xf32, #tpu.memory_space<vmem>>
      %dma_wait3A_589 = tpu.memref_squeeze %dma_wait3A_588 : memref<1x128x64xf32, #tpu.memory_space<vmem>> -> memref<128x64xf32, #tpu.memory_space<vmem>>
      %dma_wait3A_590 = tpu.memref_slice %arg3[%mul3A_576, %mul3A_0] : memref<320000x128xf32, #tpu.memory_space<hbm>> -> memref<128x64xf32, #tpu.memory_space<hbm>>
      tpu.wait_dma2 semaphore(%dma_wait3A_585 : memref<!tpu.dma_semaphore, #tpu.memory_space<semaphore_mem>>) src(%dma_wait3A_590 : memref<128x64xf32, #tpu.memory_space<hbm>>) dst(%dma_wait3A_589 : memref<128x64xf32, #tpu.memory_space<vmem>>)
      %dma_start3A_591 = arith.constant 4 : i32
      %dma_start3A_592 = arith.constant 4 : i32
      %dma_start3A_593 = arith.constant 4 : i32
      %dma_start3A_594 = arith.constant 0 : i32
      %dma_start3A_595 = arith.constant 0 : i32
      %dma_start3A_596 = tpu.memref_slice %arg6[%dma_start3A_591, %dma_start3A_594, %dma_start3A_595] : memref<6x128x64xf32, #tpu.memory_space<vmem>> -> memref<1x128x64xf32, #tpu.memory_space<vmem>>
      %dma_start3A_597 = tpu.memref_squeeze %dma_start3A_596 : memref<1x128x64xf32, #tpu.memory_space<vmem>> -> memref<128x64xf32, #tpu.memory_space<vmem>>
      %dma_start3A_598 = arith.constant 0 : i32
      %dma_start3A_599 = tpu.memref_slice %arg5[%dma_start3A_592, %dma_start3A_598] : memref<6x128xi32, #tpu.memory_space<vmem>> -> memref<1x128xi32, #tpu.memory_space<vmem>>
      %dma_start3A_600 = tpu.memref_squeeze %dma_start3A_599 : memref<1x128xi32, #tpu.memory_space<vmem>> -> memref<128xi32, #tpu.memory_space<vmem>>
      %dma_start3A_601 = arith.constant 0 : i32
      %dma_start3A_602 = arith.constant 0 : i32
      %dma_start3A_603 = tpu.memref_slice %arg10[%dma_start3A_601, %dma_start3A_602] : memref<10000x64xf32, #tpu.memory_space<vmem_shared>> -> memref<10000x64xf32, #tpu.memory_space<vmem_shared>>
      %dma_start3A_604 = tpu.memref_slice %arg12[%dma_start3A_593] : memref<6x!tpu.dma_semaphore, #tpu.memory_space<semaphore_mem>> -> memref<1x!tpu.dma_semaphore, #tpu.memory_space<semaphore_mem>>
      %dma_start3A_605 = tpu.memref_squeeze %dma_start3A_604 : memref<1x!tpu.dma_semaphore, #tpu.memory_space<semaphore_mem>> -> memref<!tpu.dma_semaphore, #tpu.memory_space<semaphore_mem>>
      tpu.enqueue_indirect_dma source(%dma_start3A_597 : memref<128x64xf32, #tpu.memory_space<vmem>>) target(%dma_start3A_603 : memref<10000x64xf32, #tpu.memory_space<vmem_shared>>) offsets(%dma_start3A_600 : memref<128xi32, #tpu.memory_space<vmem>>) semaphore(%dma_start3A_605 : memref<!tpu.dma_semaphore, #tpu.memory_space<semaphore_mem>>) {add = true}
      %add3A_606 = arith.constant 5 : i32
      %add3A_607 = arith.addi %mul3A_350, %add3A_606 : i32
      %add3A_608 = arith.addi %mul3A_4, %add3A_607 : i32
      %mul3A_609 = arith.constant 128 : i32
      %mul3A_610 = arith.muli %add3A_608, %mul3A_609 : i32
      %dma_wait3A_611 = arith.constant 0 : i32
      %dma_wait3A_612 = arith.constant 5 : i32
      %dma_wait3A_613 = arith.constant 5 : i32
      %dma_wait3A_614 = arith.constant 0 : i32
      %dma_wait3A_615 = tpu.memref_slice %arg5[%dma_wait3A_612, %dma_wait3A_614] : memref<6x128xi32, #tpu.memory_space<vmem>> -> memref<1x128xi32, #tpu.memory_space<vmem>>
      %dma_wait3A_616 = tpu.memref_squeeze %dma_wait3A_615 : memref<1x128xi32, #tpu.memory_space<vmem>> -> memref<128xi32, #tpu.memory_space<vmem>>
      %dma_wait3A_617 = tpu.memref_slice %arg2[%dma_wait3A_611, %mul3A_610] : memref<2x320000xi32, #tpu.memory_space<hbm>> -> memref<1x128xi32, #tpu.memory_space<hbm>>
      %dma_wait3A_618 = tpu.memref_squeeze %dma_wait3A_617 : memref<1x128xi32, #tpu.memory_space<hbm>> -> memref<128xi32, #tpu.memory_space<hbm>>
      %dma_wait3A_619 = tpu.memref_slice %arg11[%dma_wait3A_613] : memref<6x!tpu.dma_semaphore, #tpu.memory_space<semaphore_mem>> -> memref<1x!tpu.dma_semaphore, #tpu.memory_space<semaphore_mem>>
      %dma_wait3A_620 = tpu.memref_squeeze %dma_wait3A_619 : memref<1x!tpu.dma_semaphore, #tpu.memory_space<semaphore_mem>> -> memref<!tpu.dma_semaphore, #tpu.memory_space<semaphore_mem>>
      %dma_wait3A_621 = arith.constant 0 : i32
      %dma_wait3A_622 = tpu.memref_slice %arg5[%dma_wait3A_612, %dma_wait3A_621] : memref<6x128xi32, #tpu.memory_space<vmem>> -> memref<1x128xi32, #tpu.memory_space<vmem>>
      %dma_wait3A_623 = tpu.memref_squeeze %dma_wait3A_622 : memref<1x128xi32, #tpu.memory_space<vmem>> -> memref<128xi32, #tpu.memory_space<vmem>>
      %dma_wait3A_624 = tpu.memref_slice %arg2[%dma_wait3A_611, %mul3A_610] : memref<2x320000xi32, #tpu.memory_space<hbm>> -> memref<1x128xi32, #tpu.memory_space<hbm>>
      %dma_wait3A_625 = tpu.memref_squeeze %dma_wait3A_624 : memref<1x128xi32, #tpu.memory_space<hbm>> -> memref<128xi32, #tpu.memory_space<hbm>>
      tpu.wait_dma2 semaphore(%dma_wait3A_620 : memref<!tpu.dma_semaphore, #tpu.memory_space<semaphore_mem>>) src(%dma_wait3A_625 : memref<128xi32, #tpu.memory_space<hbm>>) dst(%dma_wait3A_623 : memref<128xi32, #tpu.memory_space<vmem>>)
      %mul3A_626 = arith.constant 128 : i32
      %mul3A_627 = arith.muli %add3A_608, %mul3A_626 : i32
      %dma_wait3A_628 = arith.constant 5 : i32
      %dma_wait3A_629 = arith.constant 5 : i32
      %dma_wait3A_630 = arith.constant 0 : i32
      %dma_wait3A_631 = arith.constant 0 : i32
      %dma_wait3A_632 = tpu.memref_slice %arg6[%dma_wait3A_628, %dma_wait3A_630, %dma_wait3A_631] : memref<6x128x64xf32, #tpu.memory_space<vmem>> -> memref<1x128x64xf32, #tpu.memory_space<vmem>>
      %dma_wait3A_633 = tpu.memref_squeeze %dma_wait3A_632 : memref<1x128x64xf32, #tpu.memory_space<vmem>> -> memref<128x64xf32, #tpu.memory_space<vmem>>
      %dma_wait3A_634 = tpu.memref_slice %arg3[%mul3A_627, %mul3A_0] : memref<320000x128xf32, #tpu.memory_space<hbm>> -> memref<128x64xf32, #tpu.memory_space<hbm>>
      %dma_wait3A_635 = tpu.memref_slice %arg11[%dma_wait3A_629] : memref<6x!tpu.dma_semaphore, #tpu.memory_space<semaphore_mem>> -> memref<1x!tpu.dma_semaphore, #tpu.memory_space<semaphore_mem>>
      %dma_wait3A_636 = tpu.memref_squeeze %dma_wait3A_635 : memref<1x!tpu.dma_semaphore, #tpu.memory_space<semaphore_mem>> -> memref<!tpu.dma_semaphore, #tpu.memory_space<semaphore_mem>>
      %dma_wait3A_637 = arith.constant 0 : i32
      %dma_wait3A_638 = arith.constant 0 : i32
      %dma_wait3A_639 = tpu.memref_slice %arg6[%dma_wait3A_628, %dma_wait3A_637, %dma_wait3A_638] : memref<6x128x64xf32, #tpu.memory_space<vmem>> -> memref<1x128x64xf32, #tpu.memory_space<vmem>>
      %dma_wait3A_640 = tpu.memref_squeeze %dma_wait3A_639 : memref<1x128x64xf32, #tpu.memory_space<vmem>> -> memref<128x64xf32, #tpu.memory_space<vmem>>
      %dma_wait3A_641 = tpu.memref_slice %arg3[%mul3A_627, %mul3A_0] : memref<320000x128xf32, #tpu.memory_space<hbm>> -> memref<128x64xf32, #tpu.memory_space<hbm>>
      tpu.wait_dma2 semaphore(%dma_wait3A_636 : memref<!tpu.dma_semaphore, #tpu.memory_space<semaphore_mem>>) src(%dma_wait3A_641 : memref<128x64xf32, #tpu.memory_space<hbm>>) dst(%dma_wait3A_640 : memref<128x64xf32, #tpu.memory_space<vmem>>)
      %dma_start3A_642 = arith.constant 5 : i32
      %dma_start3A_643 = arith.constant 5 : i32
      %dma_start3A_644 = arith.constant 5 : i32
      %dma_start3A_645 = arith.constant 0 : i32
      %dma_start3A_646 = arith.constant 0 : i32
      %dma_start3A_647 = tpu.memref_slice %arg6[%dma_start3A_642, %dma_start3A_645, %dma_start3A_646] : memref<6x128x64xf32, #tpu.memory_space<vmem>> -> memref<1x128x64xf32, #tpu.memory_space<vmem>>
      %dma_start3A_648 = tpu.memref_squeeze %dma_start3A_647 : memref<1x128x64xf32, #tpu.memory_space<vmem>> -> memref<128x64xf32, #tpu.memory_space<vmem>>
      %dma_start3A_649 = arith.constant 0 : i32
      %dma_start3A_650 = tpu.memref_slice %arg5[%dma_start3A_643, %dma_start3A_649] : memref<6x128xi32, #tpu.memory_space<vmem>> -> memref<1x128xi32, #tpu.memory_space<vmem>>
      %dma_start3A_651 = tpu.memref_squeeze %dma_start3A_650 : memref<1x128xi32, #tpu.memory_space<vmem>> -> memref<128xi32, #tpu.memory_space<vmem>>
      %dma_start3A_652 = arith.constant 0 : i32
      %dma_start3A_653 = arith.constant 0 : i32
      %dma_start3A_654 = tpu.memref_slice %arg10[%dma_start3A_652, %dma_start3A_653] : memref<10000x64xf32, #tpu.memory_space<vmem_shared>> -> memref<10000x64xf32, #tpu.memory_space<vmem_shared>>
      %dma_start3A_655 = tpu.memref_slice %arg12[%dma_start3A_644] : memref<6x!tpu.dma_semaphore, #tpu.memory_space<semaphore_mem>> -> memref<1x!tpu.dma_semaphore, #tpu.memory_space<semaphore_mem>>
      %dma_start3A_656 = tpu.memref_squeeze %dma_start3A_655 : memref<1x!tpu.dma_semaphore, #tpu.memory_space<semaphore_mem>> -> memref<!tpu.dma_semaphore, #tpu.memory_space<semaphore_mem>>
      tpu.enqueue_indirect_dma source(%dma_start3A_648 : memref<128x64xf32, #tpu.memory_space<vmem>>) target(%dma_start3A_654 : memref<10000x64xf32, #tpu.memory_space<vmem_shared>>) offsets(%dma_start3A_651 : memref<128xi32, #tpu.memory_space<vmem>>) semaphore(%dma_start3A_656 : memref<!tpu.dma_semaphore, #tpu.memory_space<semaphore_mem>>) {add = true}
      %add3A_657 = arith.constant 0 : i32
      %add3A_658 = arith.addi %mul3A_350, %add3A_657 : i32
      %add3A_659 = arith.constant 6 : i32
      %add3A_660 = arith.addi %add3A_658, %add3A_659 : i32
      %lt3A_661 = arith.constant 156 : i32
      %lt3A_662 = arith.cmpi slt, %add3A_660, %lt3A_661 : i32
      %convert_element_type3A_663 = arith.extui %lt3A_662 : i1 to i32
      %cond3A_664 = arith.constant 0 : i32
      %cond3A_665 = arith.cmpi ne, %convert_element_type3A_663, %cond3A_664 : i32
      scf.if %cond3A_665 {
        %dma_wait3A_711 = arith.constant 0 : i32
        %dma_wait3A_712 = arith.constant 0 : i32
        %dma_wait3A_713 = arith.constant 0 : i32
        %dma_wait3A_714 = arith.constant 0 : i32
        %dma_wait3A_715 = arith.constant 0 : i32
        %dma_wait3A_716 = tpu.memref_slice %arg6[%dma_wait3A_711, %dma_wait3A_714, %dma_wait3A_715] : memref<6x128x64xf32, #tpu.memory_space<vmem>> -> memref<1x128x64xf32, #tpu.memory_space<vmem>>
        %dma_wait3A_717 = tpu.memref_squeeze %dma_wait3A_716 : memref<1x128x64xf32, #tpu.memory_space<vmem>> -> memref<128x64xf32, #tpu.memory_space<vmem>>
        %dma_wait3A_718 = arith.constant 0 : i32
        %dma_wait3A_719 = tpu.memref_slice %arg5[%dma_wait3A_712, %dma_wait3A_718] : memref<6x128xi32, #tpu.memory_space<vmem>> -> memref<1x128xi32, #tpu.memory_space<vmem>>
        %dma_wait3A_720 = tpu.memref_squeeze %dma_wait3A_719 : memref<1x128xi32, #tpu.memory_space<vmem>> -> memref<128xi32, #tpu.memory_space<vmem>>
        %dma_wait3A_721 = arith.constant 0 : i32
        %dma_wait3A_722 = arith.constant 0 : i32
        %dma_wait3A_723 = tpu.memref_slice %arg10[%dma_wait3A_721, %dma_wait3A_722] : memref<10000x64xf32, #tpu.memory_space<vmem_shared>> -> memref<10000x64xf32, #tpu.memory_space<vmem_shared>>
        %dma_wait3A_724 = tpu.memref_slice %arg12[%dma_wait3A_713] : memref<6x!tpu.dma_semaphore, #tpu.memory_space<semaphore_mem>> -> memref<1x!tpu.dma_semaphore, #tpu.memory_space<semaphore_mem>>
        %dma_wait3A_725 = tpu.memref_squeeze %dma_wait3A_724 : memref<1x!tpu.dma_semaphore, #tpu.memory_space<semaphore_mem>> -> memref<!tpu.dma_semaphore, #tpu.memory_space<semaphore_mem>>
        tpu.wait_indirect_dma semaphore(%dma_wait3A_725 : memref<!tpu.dma_semaphore, #tpu.memory_space<semaphore_mem>>) src(%dma_wait3A_717 : memref<128x64xf32, #tpu.memory_space<vmem>>) dst(%dma_wait3A_723 : memref<10000x64xf32, #tpu.memory_space<vmem_shared>>)
        %add3A_726 = arith.addi %mul3A_4, %add3A_658 : i32
        %add3A_727 = arith.constant 6 : i32
        %add3A_728 = arith.addi %add3A_726, %add3A_727 : i32
        %mul3A_729 = arith.constant 128 : i32
        %mul3A_730 = arith.muli %add3A_728, %mul3A_729 : i32
        %dma_start3A_731 = arith.constant 0 : i32
        %dma_start3A_732 = arith.constant 0 : i32
        %dma_start3A_733 = arith.constant 0 : i32
        %dma_start3A_734 = arith.constant 0 : i32
        %dma_start3A_735 = tpu.memref_slice %arg5[%dma_start3A_732, %dma_start3A_734] : memref<6x128xi32, #tpu.memory_space<vmem>> -> memref<1x128xi32, #tpu.memory_space<vmem>>
        %dma_start3A_736 = tpu.memref_squeeze %dma_start3A_735 : memref<1x128xi32, #tpu.memory_space<vmem>> -> memref<128xi32, #tpu.memory_space<vmem>>
        %dma_start3A_737 = tpu.memref_slice %arg2[%dma_start3A_731, %mul3A_730] : memref<2x320000xi32, #tpu.memory_space<hbm>> -> memref<1x128xi32, #tpu.memory_space<hbm>>
        %dma_start3A_738 = tpu.memref_squeeze %dma_start3A_737 : memref<1x128xi32, #tpu.memory_space<hbm>> -> memref<128xi32, #tpu.memory_space<hbm>>
        %dma_start3A_739 = tpu.memref_slice %arg11[%dma_start3A_733] : memref<6x!tpu.dma_semaphore, #tpu.memory_space<semaphore_mem>> -> memref<1x!tpu.dma_semaphore, #tpu.memory_space<semaphore_mem>>
        %dma_start3A_740 = tpu.memref_squeeze %dma_start3A_739 : memref<1x!tpu.dma_semaphore, #tpu.memory_space<semaphore_mem>> -> memref<!tpu.dma_semaphore, #tpu.memory_space<semaphore_mem>>
        %dma_start3A_741 = arith.constant 0 : i32
        %dma_start3A_742 = tpu.memref_slice %arg5[%dma_start3A_732, %dma_start3A_741] : memref<6x128xi32, #tpu.memory_space<vmem>> -> memref<1x128xi32, #tpu.memory_space<vmem>>
        %dma_start3A_743 = tpu.memref_squeeze %dma_start3A_742 : memref<1x128xi32, #tpu.memory_space<vmem>> -> memref<128xi32, #tpu.memory_space<vmem>>
        %dma_start3A_744 = tpu.memref_slice %arg2[%dma_start3A_731, %mul3A_730] : memref<2x320000xi32, #tpu.memory_space<hbm>> -> memref<1x128xi32, #tpu.memory_space<hbm>>
        %dma_start3A_745 = tpu.memref_squeeze %dma_start3A_744 : memref<1x128xi32, #tpu.memory_space<hbm>> -> memref<128xi32, #tpu.memory_space<hbm>>
        tpu.enqueue_dma source(%dma_start3A_745 : memref<128xi32, #tpu.memory_space<hbm>>) target(%dma_start3A_743 : memref<128xi32, #tpu.memory_space<vmem>>) target_semaphore(%dma_start3A_740 : memref<!tpu.dma_semaphore, #tpu.memory_space<semaphore_mem>>)
        %mul3A_746 = arith.constant 128 : i32
        %mul3A_747 = arith.muli %add3A_728, %mul3A_746 : i32
        %dma_start3A_748 = arith.constant 0 : i32
        %dma_start3A_749 = arith.constant 0 : i32
        %dma_start3A_750 = arith.constant 0 : i32
        %dma_start3A_751 = arith.constant 0 : i32
        %dma_start3A_752 = tpu.memref_slice %arg6[%dma_start3A_748, %dma_start3A_750, %dma_start3A_751] : memref<6x128x64xf32, #tpu.memory_space<vmem>> -> memref<1x128x64xf32, #tpu.memory_space<vmem>>
        %dma_start3A_753 = tpu.memref_squeeze %dma_start3A_752 : memref<1x128x64xf32, #tpu.memory_space<vmem>> -> memref<128x64xf32, #tpu.memory_space<vmem>>
        %dma_start3A_754 = tpu.memref_slice %arg3[%mul3A_747, %mul3A_0] : memref<320000x128xf32, #tpu.memory_space<hbm>> -> memref<128x64xf32, #tpu.memory_space<hbm>>
        %dma_start3A_755 = tpu.memref_slice %arg11[%dma_start3A_749] : memref<6x!tpu.dma_semaphore, #tpu.memory_space<semaphore_mem>> -> memref<1x!tpu.dma_semaphore, #tpu.memory_space<semaphore_mem>>
        %dma_start3A_756 = tpu.memref_squeeze %dma_start3A_755 : memref<1x!tpu.dma_semaphore, #tpu.memory_space<semaphore_mem>> -> memref<!tpu.dma_semaphore, #tpu.memory_space<semaphore_mem>>
        %dma_start3A_757 = arith.constant 0 : i32
        %dma_start3A_758 = arith.constant 0 : i32
        %dma_start3A_759 = tpu.memref_slice %arg6[%dma_start3A_748, %dma_start3A_757, %dma_start3A_758] : memref<6x128x64xf32, #tpu.memory_space<vmem>> -> memref<1x128x64xf32, #tpu.memory_space<vmem>>
        %dma_start3A_760 = tpu.memref_squeeze %dma_start3A_759 : memref<1x128x64xf32, #tpu.memory_space<vmem>> -> memref<128x64xf32, #tpu.memory_space<vmem>>
        %dma_start3A_761 = tpu.memref_slice %arg3[%mul3A_747, %mul3A_0] : memref<320000x128xf32, #tpu.memory_space<hbm>> -> memref<128x64xf32, #tpu.memory_space<hbm>>
        tpu.enqueue_dma source(%dma_start3A_761 : memref<128x64xf32, #tpu.memory_space<hbm>>) target(%dma_start3A_760 : memref<128x64xf32, #tpu.memory_space<vmem>>) target_semaphore(%dma_start3A_756 : memref<!tpu.dma_semaphore, #tpu.memory_space<semaphore_mem>>)
      } else {
      }
      %add3A_666 = arith.constant 1 : i32
      %add3A_667 = arith.addi %mul3A_350, %add3A_666 : i32
      %add3A_668 = arith.constant 6 : i32
      %add3A_669 = arith.addi %add3A_667, %add3A_668 : i32
      %lt3A_670 = arith.constant 156 : i32
      %lt3A_671 = arith.cmpi slt, %add3A_669, %lt3A_670 : i32
      %convert_element_type3A_672 = arith.extui %lt3A_671 : i1 to i32
      %cond3A_673 = arith.constant 0 : i32
      %cond3A_674 = arith.cmpi ne, %convert_element_type3A_672, %cond3A_673 : i32
      scf.if %cond3A_674 {
        %dma_wait3A_711 = arith.constant 1 : i32
        %dma_wait3A_712 = arith.constant 1 : i32
        %dma_wait3A_713 = arith.constant 1 : i32
        %dma_wait3A_714 = arith.constant 0 : i32
        %dma_wait3A_715 = arith.constant 0 : i32
        %dma_wait3A_716 = tpu.memref_slice %arg6[%dma_wait3A_711, %dma_wait3A_714, %dma_wait3A_715] : memref<6x128x64xf32, #tpu.memory_space<vmem>> -> memref<1x128x64xf32, #tpu.memory_space<vmem>>
        %dma_wait3A_717 = tpu.memref_squeeze %dma_wait3A_716 : memref<1x128x64xf32, #tpu.memory_space<vmem>> -> memref<128x64xf32, #tpu.memory_space<vmem>>
        %dma_wait3A_718 = arith.constant 0 : i32
        %dma_wait3A_719 = tpu.memref_slice %arg5[%dma_wait3A_712, %dma_wait3A_718] : memref<6x128xi32, #tpu.memory_space<vmem>> -> memref<1x128xi32, #tpu.memory_space<vmem>>
        %dma_wait3A_720 = tpu.memref_squeeze %dma_wait3A_719 : memref<1x128xi32, #tpu.memory_space<vmem>> -> memref<128xi32, #tpu.memory_space<vmem>>
        %dma_wait3A_721 = arith.constant 0 : i32
        %dma_wait3A_722 = arith.constant 0 : i32
        %dma_wait3A_723 = tpu.memref_slice %arg10[%dma_wait3A_721, %dma_wait3A_722] : memref<10000x64xf32, #tpu.memory_space<vmem_shared>> -> memref<10000x64xf32, #tpu.memory_space<vmem_shared>>
        %dma_wait3A_724 = tpu.memref_slice %arg12[%dma_wait3A_713] : memref<6x!tpu.dma_semaphore, #tpu.memory_space<semaphore_mem>> -> memref<1x!tpu.dma_semaphore, #tpu.memory_space<semaphore_mem>>
        %dma_wait3A_725 = tpu.memref_squeeze %dma_wait3A_724 : memref<1x!tpu.dma_semaphore, #tpu.memory_space<semaphore_mem>> -> memref<!tpu.dma_semaphore, #tpu.memory_space<semaphore_mem>>
        tpu.wait_indirect_dma semaphore(%dma_wait3A_725 : memref<!tpu.dma_semaphore, #tpu.memory_space<semaphore_mem>>) src(%dma_wait3A_717 : memref<128x64xf32, #tpu.memory_space<vmem>>) dst(%dma_wait3A_723 : memref<10000x64xf32, #tpu.memory_space<vmem_shared>>)
        %add3A_726 = arith.addi %mul3A_4, %add3A_667 : i32
        %add3A_727 = arith.constant 6 : i32
        %add3A_728 = arith.addi %add3A_726, %add3A_727 : i32
        %mul3A_729 = arith.constant 128 : i32
        %mul3A_730 = arith.muli %add3A_728, %mul3A_729 : i32
        %dma_start3A_731 = arith.constant 0 : i32
        %dma_start3A_732 = arith.constant 1 : i32
        %dma_start3A_733 = arith.constant 1 : i32
        %dma_start3A_734 = arith.constant 0 : i32
        %dma_start3A_735 = tpu.memref_slice %arg5[%dma_start3A_732, %dma_start3A_734] : memref<6x128xi32, #tpu.memory_space<vmem>> -> memref<1x128xi32, #tpu.memory_space<vmem>>
        %dma_start3A_736 = tpu.memref_squeeze %dma_start3A_735 : memref<1x128xi32, #tpu.memory_space<vmem>> -> memref<128xi32, #tpu.memory_space<vmem>>
        %dma_start3A_737 = tpu.memref_slice %arg2[%dma_start3A_731, %mul3A_730] : memref<2x320000xi32, #tpu.memory_space<hbm>> -> memref<1x128xi32, #tpu.memory_space<hbm>>
        %dma_start3A_738 = tpu.memref_squeeze %dma_start3A_737 : memref<1x128xi32, #tpu.memory_space<hbm>> -> memref<128xi32, #tpu.memory_space<hbm>>
        %dma_start3A_739 = tpu.memref_slice %arg11[%dma_start3A_733] : memref<6x!tpu.dma_semaphore, #tpu.memory_space<semaphore_mem>> -> memref<1x!tpu.dma_semaphore, #tpu.memory_space<semaphore_mem>>
        %dma_start3A_740 = tpu.memref_squeeze %dma_start3A_739 : memref<1x!tpu.dma_semaphore, #tpu.memory_space<semaphore_mem>> -> memref<!tpu.dma_semaphore, #tpu.memory_space<semaphore_mem>>
        %dma_start3A_741 = arith.constant 0 : i32
        %dma_start3A_742 = tpu.memref_slice %arg5[%dma_start3A_732, %dma_start3A_741] : memref<6x128xi32, #tpu.memory_space<vmem>> -> memref<1x128xi32, #tpu.memory_space<vmem>>
        %dma_start3A_743 = tpu.memref_squeeze %dma_start3A_742 : memref<1x128xi32, #tpu.memory_space<vmem>> -> memref<128xi32, #tpu.memory_space<vmem>>
        %dma_start3A_744 = tpu.memref_slice %arg2[%dma_start3A_731, %mul3A_730] : memref<2x320000xi32, #tpu.memory_space<hbm>> -> memref<1x128xi32, #tpu.memory_space<hbm>>
        %dma_start3A_745 = tpu.memref_squeeze %dma_start3A_744 : memref<1x128xi32, #tpu.memory_space<hbm>> -> memref<128xi32, #tpu.memory_space<hbm>>
        tpu.enqueue_dma source(%dma_start3A_745 : memref<128xi32, #tpu.memory_space<hbm>>) target(%dma_start3A_743 : memref<128xi32, #tpu.memory_space<vmem>>) target_semaphore(%dma_start3A_740 : memref<!tpu.dma_semaphore, #tpu.memory_space<semaphore_mem>>)
        %mul3A_746 = arith.constant 128 : i32
        %mul3A_747 = arith.muli %add3A_728, %mul3A_746 : i32
        %dma_start3A_748 = arith.constant 1 : i32
        %dma_start3A_749 = arith.constant 1 : i32
        %dma_start3A_750 = arith.constant 0 : i32
        %dma_start3A_751 = arith.constant 0 : i32
        %dma_start3A_752 = tpu.memref_slice %arg6[%dma_start3A_748, %dma_start3A_750, %dma_start3A_751] : memref<6x128x64xf32, #tpu.memory_space<vmem>> -> memref<1x128x64xf32, #tpu.memory_space<vmem>>
        %dma_start3A_753 = tpu.memref_squeeze %dma_start3A_752 : memref<1x128x64xf32, #tpu.memory_space<vmem>> -> memref<128x64xf32, #tpu.memory_space<vmem>>
        %dma_start3A_754 = tpu.memref_slice %arg3[%mul3A_747, %mul3A_0] : memref<320000x128xf32, #tpu.memory_space<hbm>> -> memref<128x64xf32, #tpu.memory_space<hbm>>
        %dma_start3A_755 = tpu.memref_slice %arg11[%dma_start3A_749] : memref<6x!tpu.dma_semaphore, #tpu.memory_space<semaphore_mem>> -> memref<1x!tpu.dma_semaphore, #tpu.memory_space<semaphore_mem>>
        %dma_start3A_756 = tpu.memref_squeeze %dma_start3A_755 : memref<1x!tpu.dma_semaphore, #tpu.memory_space<semaphore_mem>> -> memref<!tpu.dma_semaphore, #tpu.memory_space<semaphore_mem>>
        %dma_start3A_757 = arith.constant 0 : i32
        %dma_start3A_758 = arith.constant 0 : i32
        %dma_start3A_759 = tpu.memref_slice %arg6[%dma_start3A_748, %dma_start3A_757, %dma_start3A_758] : memref<6x128x64xf32, #tpu.memory_space<vmem>> -> memref<1x128x64xf32, #tpu.memory_space<vmem>>
        %dma_start3A_760 = tpu.memref_squeeze %dma_start3A_759 : memref<1x128x64xf32, #tpu.memory_space<vmem>> -> memref<128x64xf32, #tpu.memory_space<vmem>>
        %dma_start3A_761 = tpu.memref_slice %arg3[%mul3A_747, %mul3A_0] : memref<320000x128xf32, #tpu.memory_space<hbm>> -> memref<128x64xf32, #tpu.memory_space<hbm>>
        tpu.enqueue_dma source(%dma_start3A_761 : memref<128x64xf32, #tpu.memory_space<hbm>>) target(%dma_start3A_760 : memref<128x64xf32, #tpu.memory_space<vmem>>) target_semaphore(%dma_start3A_756 : memref<!tpu.dma_semaphore, #tpu.memory_space<semaphore_mem>>)
      } else {
      }
      %add3A_675 = arith.constant 2 : i32
      %add3A_676 = arith.addi %mul3A_350, %add3A_675 : i32
      %add3A_677 = arith.constant 6 : i32
      %add3A_678 = arith.addi %add3A_676, %add3A_677 : i32
      %lt3A_679 = arith.constant 156 : i32
      %lt3A_680 = arith.cmpi slt, %add3A_678, %lt3A_679 : i32
      %convert_element_type3A_681 = arith.extui %lt3A_680 : i1 to i32
      %cond3A_682 = arith.constant 0 : i32
      %cond3A_683 = arith.cmpi ne, %convert_element_type3A_681, %cond3A_682 : i32
      scf.if %cond3A_683 {
        %dma_wait3A_711 = arith.constant 2 : i32
        %dma_wait3A_712 = arith.constant 2 : i32
        %dma_wait3A_713 = arith.constant 2 : i32
        %dma_wait3A_714 = arith.constant 0 : i32
        %dma_wait3A_715 = arith.constant 0 : i32
        %dma_wait3A_716 = tpu.memref_slice %arg6[%dma_wait3A_711, %dma_wait3A_714, %dma_wait3A_715] : memref<6x128x64xf32, #tpu.memory_space<vmem>> -> memref<1x128x64xf32, #tpu.memory_space<vmem>>
        %dma_wait3A_717 = tpu.memref_squeeze %dma_wait3A_716 : memref<1x128x64xf32, #tpu.memory_space<vmem>> -> memref<128x64xf32, #tpu.memory_space<vmem>>
        %dma_wait3A_718 = arith.constant 0 : i32
        %dma_wait3A_719 = tpu.memref_slice %arg5[%dma_wait3A_712, %dma_wait3A_718] : memref<6x128xi32, #tpu.memory_space<vmem>> -> memref<1x128xi32, #tpu.memory_space<vmem>>
        %dma_wait3A_720 = tpu.memref_squeeze %dma_wait3A_719 : memref<1x128xi32, #tpu.memory_space<vmem>> -> memref<128xi32, #tpu.memory_space<vmem>>
        %dma_wait3A_721 = arith.constant 0 : i32
        %dma_wait3A_722 = arith.constant 0 : i32
        %dma_wait3A_723 = tpu.memref_slice %arg10[%dma_wait3A_721, %dma_wait3A_722] : memref<10000x64xf32, #tpu.memory_space<vmem_shared>> -> memref<10000x64xf32, #tpu.memory_space<vmem_shared>>
        %dma_wait3A_724 = tpu.memref_slice %arg12[%dma_wait3A_713] : memref<6x!tpu.dma_semaphore, #tpu.memory_space<semaphore_mem>> -> memref<1x!tpu.dma_semaphore, #tpu.memory_space<semaphore_mem>>
        %dma_wait3A_725 = tpu.memref_squeeze %dma_wait3A_724 : memref<1x!tpu.dma_semaphore, #tpu.memory_space<semaphore_mem>> -> memref<!tpu.dma_semaphore, #tpu.memory_space<semaphore_mem>>
        tpu.wait_indirect_dma semaphore(%dma_wait3A_725 : memref<!tpu.dma_semaphore, #tpu.memory_space<semaphore_mem>>) src(%dma_wait3A_717 : memref<128x64xf32, #tpu.memory_space<vmem>>) dst(%dma_wait3A_723 : memref<10000x64xf32, #tpu.memory_space<vmem_shared>>)
        %add3A_726 = arith.addi %mul3A_4, %add3A_676 : i32
        %add3A_727 = arith.constant 6 : i32
        %add3A_728 = arith.addi %add3A_726, %add3A_727 : i32
        %mul3A_729 = arith.constant 128 : i32
        %mul3A_730 = arith.muli %add3A_728, %mul3A_729 : i32
        %dma_start3A_731 = arith.constant 0 : i32
        %dma_start3A_732 = arith.constant 2 : i32
        %dma_start3A_733 = arith.constant 2 : i32
        %dma_start3A_734 = arith.constant 0 : i32
        %dma_start3A_735 = tpu.memref_slice %arg5[%dma_start3A_732, %dma_start3A_734] : memref<6x128xi32, #tpu.memory_space<vmem>> -> memref<1x128xi32, #tpu.memory_space<vmem>>
        %dma_start3A_736 = tpu.memref_squeeze %dma_start3A_735 : memref<1x128xi32, #tpu.memory_space<vmem>> -> memref<128xi32, #tpu.memory_space<vmem>>
        %dma_start3A_737 = tpu.memref_slice %arg2[%dma_start3A_731, %mul3A_730] : memref<2x320000xi32, #tpu.memory_space<hbm>> -> memref<1x128xi32, #tpu.memory_space<hbm>>
        %dma_start3A_738 = tpu.memref_squeeze %dma_start3A_737 : memref<1x128xi32, #tpu.memory_space<hbm>> -> memref<128xi32, #tpu.memory_space<hbm>>
        %dma_start3A_739 = tpu.memref_slice %arg11[%dma_start3A_733] : memref<6x!tpu.dma_semaphore, #tpu.memory_space<semaphore_mem>> -> memref<1x!tpu.dma_semaphore, #tpu.memory_space<semaphore_mem>>
        %dma_start3A_740 = tpu.memref_squeeze %dma_start3A_739 : memref<1x!tpu.dma_semaphore, #tpu.memory_space<semaphore_mem>> -> memref<!tpu.dma_semaphore, #tpu.memory_space<semaphore_mem>>
        %dma_start3A_741 = arith.constant 0 : i32
        %dma_start3A_742 = tpu.memref_slice %arg5[%dma_start3A_732, %dma_start3A_741] : memref<6x128xi32, #tpu.memory_space<vmem>> -> memref<1x128xi32, #tpu.memory_space<vmem>>
        %dma_start3A_743 = tpu.memref_squeeze %dma_start3A_742 : memref<1x128xi32, #tpu.memory_space<vmem>> -> memref<128xi32, #tpu.memory_space<vmem>>
        %dma_start3A_744 = tpu.memref_slice %arg2[%dma_start3A_731, %mul3A_730] : memref<2x320000xi32, #tpu.memory_space<hbm>> -> memref<1x128xi32, #tpu.memory_space<hbm>>
        %dma_start3A_745 = tpu.memref_squeeze %dma_start3A_744 : memref<1x128xi32, #tpu.memory_space<hbm>> -> memref<128xi32, #tpu.memory_space<hbm>>
        tpu.enqueue_dma source(%dma_start3A_745 : memref<128xi32, #tpu.memory_space<hbm>>) target(%dma_start3A_743 : memref<128xi32, #tpu.memory_space<vmem>>) target_semaphore(%dma_start3A_740 : memref<!tpu.dma_semaphore, #tpu.memory_space<semaphore_mem>>)
        %mul3A_746 = arith.constant 128 : i32
        %mul3A_747 = arith.muli %add3A_728, %mul3A_746 : i32
        %dma_start3A_748 = arith.constant 2 : i32
        %dma_start3A_749 = arith.constant 2 : i32
        %dma_start3A_750 = arith.constant 0 : i32
        %dma_start3A_751 = arith.constant 0 : i32
        %dma_start3A_752 = tpu.memref_slice %arg6[%dma_start3A_748, %dma_start3A_750, %dma_start3A_751] : memref<6x128x64xf32, #tpu.memory_space<vmem>> -> memref<1x128x64xf32, #tpu.memory_space<vmem>>
        %dma_start3A_753 = tpu.memref_squeeze %dma_start3A_752 : memref<1x128x64xf32, #tpu.memory_space<vmem>> -> memref<128x64xf32, #tpu.memory_space<vmem>>
        %dma_start3A_754 = tpu.memref_slice %arg3[%mul3A_747, %mul3A_0] : memref<320000x128xf32, #tpu.memory_space<hbm>> -> memref<128x64xf32, #tpu.memory_space<hbm>>
        %dma_start3A_755 = tpu.memref_slice %arg11[%dma_start3A_749] : memref<6x!tpu.dma_semaphore, #tpu.memory_space<semaphore_mem>> -> memref<1x!tpu.dma_semaphore, #tpu.memory_space<semaphore_mem>>
        %dma_start3A_756 = tpu.memref_squeeze %dma_start3A_755 : memref<1x!tpu.dma_semaphore, #tpu.memory_space<semaphore_mem>> -> memref<!tpu.dma_semaphore, #tpu.memory_space<semaphore_mem>>
        %dma_start3A_757 = arith.constant 0 : i32
        %dma_start3A_758 = arith.constant 0 : i32
        %dma_start3A_759 = tpu.memref_slice %arg6[%dma_start3A_748, %dma_start3A_757, %dma_start3A_758] : memref<6x128x64xf32, #tpu.memory_space<vmem>> -> memref<1x128x64xf32, #tpu.memory_space<vmem>>
        %dma_start3A_760 = tpu.memref_squeeze %dma_start3A_759 : memref<1x128x64xf32, #tpu.memory_space<vmem>> -> memref<128x64xf32, #tpu.memory_space<vmem>>
        %dma_start3A_761 = tpu.memref_slice %arg3[%mul3A_747, %mul3A_0] : memref<320000x128xf32, #tpu.memory_space<hbm>> -> memref<128x64xf32, #tpu.memory_space<hbm>>
        tpu.enqueue_dma source(%dma_start3A_761 : memref<128x64xf32, #tpu.memory_space<hbm>>) target(%dma_start3A_760 : memref<128x64xf32, #tpu.memory_space<vmem>>) target_semaphore(%dma_start3A_756 : memref<!tpu.dma_semaphore, #tpu.memory_space<semaphore_mem>>)
      } else {
      }
      %add3A_684 = arith.constant 3 : i32
      %add3A_685 = arith.addi %mul3A_350, %add3A_684 : i32
      %add3A_686 = arith.constant 6 : i32
      %add3A_687 = arith.addi %add3A_685, %add3A_686 : i32
      %lt3A_688 = arith.constant 156 : i32
      %lt3A_689 = arith.cmpi slt, %add3A_687, %lt3A_688 : i32
      %convert_element_type3A_690 = arith.extui %lt3A_689 : i1 to i32
      %cond3A_691 = arith.constant 0 : i32
      %cond3A_692 = arith.cmpi ne, %convert_element_type3A_690, %cond3A_691 : i32
      scf.if %cond3A_692 {
        %dma_wait3A_711 = arith.constant 3 : i32
        %dma_wait3A_712 = arith.constant 3 : i32
        %dma_wait3A_713 = arith.constant 3 : i32
        %dma_wait3A_714 = arith.constant 0 : i32
        %dma_wait3A_715 = arith.constant 0 : i32
        %dma_wait3A_716 = tpu.memref_slice %arg6[%dma_wait3A_711, %dma_wait3A_714, %dma_wait3A_715] : memref<6x128x64xf32, #tpu.memory_space<vmem>> -> memref<1x128x64xf32, #tpu.memory_space<vmem>>
        %dma_wait3A_717 = tpu.memref_squeeze %dma_wait3A_716 : memref<1x128x64xf32, #tpu.memory_space<vmem>> -> memref<128x64xf32, #tpu.memory_space<vmem>>
        %dma_wait3A_718 = arith.constant 0 : i32
        %dma_wait3A_719 = tpu.memref_slice %arg5[%dma_wait3A_712, %dma_wait3A_718] : memref<6x128xi32, #tpu.memory_space<vmem>> -> memref<1x128xi32, #tpu.memory_space<vmem>>
        %dma_wait3A_720 = tpu.memref_squeeze %dma_wait3A_719 : memref<1x128xi32, #tpu.memory_space<vmem>> -> memref<128xi32, #tpu.memory_space<vmem>>
        %dma_wait3A_721 = arith.constant 0 : i32
        %dma_wait3A_722 = arith.constant 0 : i32
        %dma_wait3A_723 = tpu.memref_slice %arg10[%dma_wait3A_721, %dma_wait3A_722] : memref<10000x64xf32, #tpu.memory_space<vmem_shared>> -> memref<10000x64xf32, #tpu.memory_space<vmem_shared>>
        %dma_wait3A_724 = tpu.memref_slice %arg12[%dma_wait3A_713] : memref<6x!tpu.dma_semaphore, #tpu.memory_space<semaphore_mem>> -> memref<1x!tpu.dma_semaphore, #tpu.memory_space<semaphore_mem>>
        %dma_wait3A_725 = tpu.memref_squeeze %dma_wait3A_724 : memref<1x!tpu.dma_semaphore, #tpu.memory_space<semaphore_mem>> -> memref<!tpu.dma_semaphore, #tpu.memory_space<semaphore_mem>>
        tpu.wait_indirect_dma semaphore(%dma_wait3A_725 : memref<!tpu.dma_semaphore, #tpu.memory_space<semaphore_mem>>) src(%dma_wait3A_717 : memref<128x64xf32, #tpu.memory_space<vmem>>) dst(%dma_wait3A_723 : memref<10000x64xf32, #tpu.memory_space<vmem_shared>>)
        %add3A_726 = arith.addi %mul3A_4, %add3A_685 : i32
        %add3A_727 = arith.constant 6 : i32
        %add3A_728 = arith.addi %add3A_726, %add3A_727 : i32
        %mul3A_729 = arith.constant 128 : i32
        %mul3A_730 = arith.muli %add3A_728, %mul3A_729 : i32
        %dma_start3A_731 = arith.constant 0 : i32
        %dma_start3A_732 = arith.constant 3 : i32
        %dma_start3A_733 = arith.constant 3 : i32
        %dma_start3A_734 = arith.constant 0 : i32
        %dma_start3A_735 = tpu.memref_slice %arg5[%dma_start3A_732, %dma_start3A_734] : memref<6x128xi32, #tpu.memory_space<vmem>> -> memref<1x128xi32, #tpu.memory_space<vmem>>
        %dma_start3A_736 = tpu.memref_squeeze %dma_start3A_735 : memref<1x128xi32, #tpu.memory_space<vmem>> -> memref<128xi32, #tpu.memory_space<vmem>>
        %dma_start3A_737 = tpu.memref_slice %arg2[%dma_start3A_731, %mul3A_730] : memref<2x320000xi32, #tpu.memory_space<hbm>> -> memref<1x128xi32, #tpu.memory_space<hbm>>
        %dma_start3A_738 = tpu.memref_squeeze %dma_start3A_737 : memref<1x128xi32, #tpu.memory_space<hbm>> -> memref<128xi32, #tpu.memory_space<hbm>>
        %dma_start3A_739 = tpu.memref_slice %arg11[%dma_start3A_733] : memref<6x!tpu.dma_semaphore, #tpu.memory_space<semaphore_mem>> -> memref<1x!tpu.dma_semaphore, #tpu.memory_space<semaphore_mem>>
        %dma_start3A_740 = tpu.memref_squeeze %dma_start3A_739 : memref<1x!tpu.dma_semaphore, #tpu.memory_space<semaphore_mem>> -> memref<!tpu.dma_semaphore, #tpu.memory_space<semaphore_mem>>
        %dma_start3A_741 = arith.constant 0 : i32
        %dma_start3A_742 = tpu.memref_slice %arg5[%dma_start3A_732, %dma_start3A_741] : memref<6x128xi32, #tpu.memory_space<vmem>> -> memref<1x128xi32, #tpu.memory_space<vmem>>
        %dma_start3A_743 = tpu.memref_squeeze %dma_start3A_742 : memref<1x128xi32, #tpu.memory_space<vmem>> -> memref<128xi32, #tpu.memory_space<vmem>>
        %dma_start3A_744 = tpu.memref_slice %arg2[%dma_start3A_731, %mul3A_730] : memref<2x320000xi32, #tpu.memory_space<hbm>> -> memref<1x128xi32, #tpu.memory_space<hbm>>
        %dma_start3A_745 = tpu.memref_squeeze %dma_start3A_744 : memref<1x128xi32, #tpu.memory_space<hbm>> -> memref<128xi32, #tpu.memory_space<hbm>>
        tpu.enqueue_dma source(%dma_start3A_745 : memref<128xi32, #tpu.memory_space<hbm>>) target(%dma_start3A_743 : memref<128xi32, #tpu.memory_space<vmem>>) target_semaphore(%dma_start3A_740 : memref<!tpu.dma_semaphore, #tpu.memory_space<semaphore_mem>>)
        %mul3A_746 = arith.constant 128 : i32
        %mul3A_747 = arith.muli %add3A_728, %mul3A_746 : i32
        %dma_start3A_748 = arith.constant 3 : i32
        %dma_start3A_749 = arith.constant 3 : i32
        %dma_start3A_750 = arith.constant 0 : i32
        %dma_start3A_751 = arith.constant 0 : i32
        %dma_start3A_752 = tpu.memref_slice %arg6[%dma_start3A_748, %dma_start3A_750, %dma_start3A_751] : memref<6x128x64xf32, #tpu.memory_space<vmem>> -> memref<1x128x64xf32, #tpu.memory_space<vmem>>
        %dma_start3A_753 = tpu.memref_squeeze %dma_start3A_752 : memref<1x128x64xf32, #tpu.memory_space<vmem>> -> memref<128x64xf32, #tpu.memory_space<vmem>>
        %dma_start3A_754 = tpu.memref_slice %arg3[%mul3A_747, %mul3A_0] : memref<320000x128xf32, #tpu.memory_space<hbm>> -> memref<128x64xf32, #tpu.memory_space<hbm>>
        %dma_start3A_755 = tpu.memref_slice %arg11[%dma_start3A_749] : memref<6x!tpu.dma_semaphore, #tpu.memory_space<semaphore_mem>> -> memref<1x!tpu.dma_semaphore, #tpu.memory_space<semaphore_mem>>
        %dma_start3A_756 = tpu.memref_squeeze %dma_start3A_755 : memref<1x!tpu.dma_semaphore, #tpu.memory_space<semaphore_mem>> -> memref<!tpu.dma_semaphore, #tpu.memory_space<semaphore_mem>>
        %dma_start3A_757 = arith.constant 0 : i32
        %dma_start3A_758 = arith.constant 0 : i32
        %dma_start3A_759 = tpu.memref_slice %arg6[%dma_start3A_748, %dma_start3A_757, %dma_start3A_758] : memref<6x128x64xf32, #tpu.memory_space<vmem>> -> memref<1x128x64xf32, #tpu.memory_space<vmem>>
        %dma_start3A_760 = tpu.memref_squeeze %dma_start3A_759 : memref<1x128x64xf32, #tpu.memory_space<vmem>> -> memref<128x64xf32, #tpu.memory_space<vmem>>
        %dma_start3A_761 = tpu.memref_slice %arg3[%mul3A_747, %mul3A_0] : memref<320000x128xf32, #tpu.memory_space<hbm>> -> memref<128x64xf32, #tpu.memory_space<hbm>>
        tpu.enqueue_dma source(%dma_start3A_761 : memref<128x64xf32, #tpu.memory_space<hbm>>) target(%dma_start3A_760 : memref<128x64xf32, #tpu.memory_space<vmem>>) target_semaphore(%dma_start3A_756 : memref<!tpu.dma_semaphore, #tpu.memory_space<semaphore_mem>>)
      } else {
      }
      %add3A_693 = arith.constant 4 : i32
      %add3A_694 = arith.addi %mul3A_350, %add3A_693 : i32
      %add3A_695 = arith.constant 6 : i32
      %add3A_696 = arith.addi %add3A_694, %add3A_695 : i32
      %lt3A_697 = arith.constant 156 : i32
      %lt3A_698 = arith.cmpi slt, %add3A_696, %lt3A_697 : i32
      %convert_element_type3A_699 = arith.extui %lt3A_698 : i1 to i32
      %cond3A_700 = arith.constant 0 : i32
      %cond3A_701 = arith.cmpi ne, %convert_element_type3A_699, %cond3A_700 : i32
      scf.if %cond3A_701 {
        %dma_wait3A_711 = arith.constant 4 : i32
        %dma_wait3A_712 = arith.constant 4 : i32
        %dma_wait3A_713 = arith.constant 4 : i32
        %dma_wait3A_714 = arith.constant 0 : i32
        %dma_wait3A_715 = arith.constant 0 : i32
        %dma_wait3A_716 = tpu.memref_slice %arg6[%dma_wait3A_711, %dma_wait3A_714, %dma_wait3A_715] : memref<6x128x64xf32, #tpu.memory_space<vmem>> -> memref<1x128x64xf32, #tpu.memory_space<vmem>>
        %dma_wait3A_717 = tpu.memref_squeeze %dma_wait3A_716 : memref<1x128x64xf32, #tpu.memory_space<vmem>> -> memref<128x64xf32, #tpu.memory_space<vmem>>
        %dma_wait3A_718 = arith.constant 0 : i32
        %dma_wait3A_719 = tpu.memref_slice %arg5[%dma_wait3A_712, %dma_wait3A_718] : memref<6x128xi32, #tpu.memory_space<vmem>> -> memref<1x128xi32, #tpu.memory_space<vmem>>
        %dma_wait3A_720 = tpu.memref_squeeze %dma_wait3A_719 : memref<1x128xi32, #tpu.memory_space<vmem>> -> memref<128xi32, #tpu.memory_space<vmem>>
        %dma_wait3A_721 = arith.constant 0 : i32
        %dma_wait3A_722 = arith.constant 0 : i32
        %dma_wait3A_723 = tpu.memref_slice %arg10[%dma_wait3A_721, %dma_wait3A_722] : memref<10000x64xf32, #tpu.memory_space<vmem_shared>> -> memref<10000x64xf32, #tpu.memory_space<vmem_shared>>
        %dma_wait3A_724 = tpu.memref_slice %arg12[%dma_wait3A_713] : memref<6x!tpu.dma_semaphore, #tpu.memory_space<semaphore_mem>> -> memref<1x!tpu.dma_semaphore, #tpu.memory_space<semaphore_mem>>
        %dma_wait3A_725 = tpu.memref_squeeze %dma_wait3A_724 : memref<1x!tpu.dma_semaphore, #tpu.memory_space<semaphore_mem>> -> memref<!tpu.dma_semaphore, #tpu.memory_space<semaphore_mem>>
        tpu.wait_indirect_dma semaphore(%dma_wait3A_725 : memref<!tpu.dma_semaphore, #tpu.memory_space<semaphore_mem>>) src(%dma_wait3A_717 : memref<128x64xf32, #tpu.memory_space<vmem>>) dst(%dma_wait3A_723 : memref<10000x64xf32, #tpu.memory_space<vmem_shared>>)
        %add3A_726 = arith.addi %mul3A_4, %add3A_694 : i32
        %add3A_727 = arith.constant 6 : i32
        %add3A_728 = arith.addi %add3A_726, %add3A_727 : i32
        %mul3A_729 = arith.constant 128 : i32
        %mul3A_730 = arith.muli %add3A_728, %mul3A_729 : i32
        %dma_start3A_731 = arith.constant 0 : i32
        %dma_start3A_732 = arith.constant 4 : i32
        %dma_start3A_733 = arith.constant 4 : i32
        %dma_start3A_734 = arith.constant 0 : i32
        %dma_start3A_735 = tpu.memref_slice %arg5[%dma_start3A_732, %dma_start3A_734] : memref<6x128xi32, #tpu.memory_space<vmem>> -> memref<1x128xi32, #tpu.memory_space<vmem>>
        %dma_start3A_736 = tpu.memref_squeeze %dma_start3A_735 : memref<1x128xi32, #tpu.memory_space<vmem>> -> memref<128xi32, #tpu.memory_space<vmem>>
        %dma_start3A_737 = tpu.memref_slice %arg2[%dma_start3A_731, %mul3A_730] : memref<2x320000xi32, #tpu.memory_space<hbm>> -> memref<1x128xi32, #tpu.memory_space<hbm>>
        %dma_start3A_738 = tpu.memref_squeeze %dma_start3A_737 : memref<1x128xi32, #tpu.memory_space<hbm>> -> memref<128xi32, #tpu.memory_space<hbm>>
        %dma_start3A_739 = tpu.memref_slice %arg11[%dma_start3A_733] : memref<6x!tpu.dma_semaphore, #tpu.memory_space<semaphore_mem>> -> memref<1x!tpu.dma_semaphore, #tpu.memory_space<semaphore_mem>>
        %dma_start3A_740 = tpu.memref_squeeze %dma_start3A_739 : memref<1x!tpu.dma_semaphore, #tpu.memory_space<semaphore_mem>> -> memref<!tpu.dma_semaphore, #tpu.memory_space<semaphore_mem>>
        %dma_start3A_741 = arith.constant 0 : i32
        %dma_start3A_742 = tpu.memref_slice %arg5[%dma_start3A_732, %dma_start3A_741] : memref<6x128xi32, #tpu.memory_space<vmem>> -> memref<1x128xi32, #tpu.memory_space<vmem>>
        %dma_start3A_743 = tpu.memref_squeeze %dma_start3A_742 : memref<1x128xi32, #tpu.memory_space<vmem>> -> memref<128xi32, #tpu.memory_space<vmem>>
        %dma_start3A_744 = tpu.memref_slice %arg2[%dma_start3A_731, %mul3A_730] : memref<2x320000xi32, #tpu.memory_space<hbm>> -> memref<1x128xi32, #tpu.memory_space<hbm>>
        %dma_start3A_745 = tpu.memref_squeeze %dma_start3A_744 : memref<1x128xi32, #tpu.memory_space<hbm>> -> memref<128xi32, #tpu.memory_space<hbm>>
        tpu.enqueue_dma source(%dma_start3A_745 : memref<128xi32, #tpu.memory_space<hbm>>) target(%dma_start3A_743 : memref<128xi32, #tpu.memory_space<vmem>>) target_semaphore(%dma_start3A_740 : memref<!tpu.dma_semaphore, #tpu.memory_space<semaphore_mem>>)
        %mul3A_746 = arith.constant 128 : i32
        %mul3A_747 = arith.muli %add3A_728, %mul3A_746 : i32
        %dma_start3A_748 = arith.constant 4 : i32
        %dma_start3A_749 = arith.constant 4 : i32
        %dma_start3A_750 = arith.constant 0 : i32
        %dma_start3A_751 = arith.constant 0 : i32
        %dma_start3A_752 = tpu.memref_slice %arg6[%dma_start3A_748, %dma_start3A_750, %dma_start3A_751] : memref<6x128x64xf32, #tpu.memory_space<vmem>> -> memref<1x128x64xf32, #tpu.memory_space<vmem>>
        %dma_start3A_753 = tpu.memref_squeeze %dma_start3A_752 : memref<1x128x64xf32, #tpu.memory_space<vmem>> -> memref<128x64xf32, #tpu.memory_space<vmem>>
        %dma_start3A_754 = tpu.memref_slice %arg3[%mul3A_747, %mul3A_0] : memref<320000x128xf32, #tpu.memory_space<hbm>> -> memref<128x64xf32, #tpu.memory_space<hbm>>
        %dma_start3A_755 = tpu.memref_slice %arg11[%dma_start3A_749] : memref<6x!tpu.dma_semaphore, #tpu.memory_space<semaphore_mem>> -> memref<1x!tpu.dma_semaphore, #tpu.memory_space<semaphore_mem>>
        %dma_start3A_756 = tpu.memref_squeeze %dma_start3A_755 : memref<1x!tpu.dma_semaphore, #tpu.memory_space<semaphore_mem>> -> memref<!tpu.dma_semaphore, #tpu.memory_space<semaphore_mem>>
        %dma_start3A_757 = arith.constant 0 : i32
        %dma_start3A_758 = arith.constant 0 : i32
        %dma_start3A_759 = tpu.memref_slice %arg6[%dma_start3A_748, %dma_start3A_757, %dma_start3A_758] : memref<6x128x64xf32, #tpu.memory_space<vmem>> -> memref<1x128x64xf32, #tpu.memory_space<vmem>>
        %dma_start3A_760 = tpu.memref_squeeze %dma_start3A_759 : memref<1x128x64xf32, #tpu.memory_space<vmem>> -> memref<128x64xf32, #tpu.memory_space<vmem>>
        %dma_start3A_761 = tpu.memref_slice %arg3[%mul3A_747, %mul3A_0] : memref<320000x128xf32, #tpu.memory_space<hbm>> -> memref<128x64xf32, #tpu.memory_space<hbm>>
        tpu.enqueue_dma source(%dma_start3A_761 : memref<128x64xf32, #tpu.memory_space<hbm>>) target(%dma_start3A_760 : memref<128x64xf32, #tpu.memory_space<vmem>>) target_semaphore(%dma_start3A_756 : memref<!tpu.dma_semaphore, #tpu.memory_space<semaphore_mem>>)
      } else {
      }
      %add3A_702 = arith.constant 5 : i32
      %add3A_703 = arith.addi %mul3A_350, %add3A_702 : i32
      %add3A_704 = arith.constant 6 : i32
      %add3A_705 = arith.addi %add3A_703, %add3A_704 : i32
      %lt3A_706 = arith.constant 156 : i32
      %lt3A_707 = arith.cmpi slt, %add3A_705, %lt3A_706 : i32
      %convert_element_type3A_708 = arith.extui %lt3A_707 : i1 to i32
      %cond3A_709 = arith.constant 0 : i32
      %cond3A_710 = arith.cmpi ne, %convert_element_type3A_708, %cond3A_709 : i32
      scf.if %cond3A_710 {
        %dma_wait3A_711 = arith.constant 5 : i32
        %dma_wait3A_712 = arith.constant 5 : i32
        %dma_wait3A_713 = arith.constant 5 : i32
        %dma_wait3A_714 = arith.constant 0 : i32
        %dma_wait3A_715 = arith.constant 0 : i32
        %dma_wait3A_716 = tpu.memref_slice %arg6[%dma_wait3A_711, %dma_wait3A_714, %dma_wait3A_715] : memref<6x128x64xf32, #tpu.memory_space<vmem>> -> memref<1x128x64xf32, #tpu.memory_space<vmem>>
        %dma_wait3A_717 = tpu.memref_squeeze %dma_wait3A_716 : memref<1x128x64xf32, #tpu.memory_space<vmem>> -> memref<128x64xf32, #tpu.memory_space<vmem>>
        %dma_wait3A_718 = arith.constant 0 : i32
        %dma_wait3A_719 = tpu.memref_slice %arg5[%dma_wait3A_712, %dma_wait3A_718] : memref<6x128xi32, #tpu.memory_space<vmem>> -> memref<1x128xi32, #tpu.memory_space<vmem>>
        %dma_wait3A_720 = tpu.memref_squeeze %dma_wait3A_719 : memref<1x128xi32, #tpu.memory_space<vmem>> -> memref<128xi32, #tpu.memory_space<vmem>>
        %dma_wait3A_721 = arith.constant 0 : i32
        %dma_wait3A_722 = arith.constant 0 : i32
        %dma_wait3A_723 = tpu.memref_slice %arg10[%dma_wait3A_721, %dma_wait3A_722] : memref<10000x64xf32, #tpu.memory_space<vmem_shared>> -> memref<10000x64xf32, #tpu.memory_space<vmem_shared>>
        %dma_wait3A_724 = tpu.memref_slice %arg12[%dma_wait3A_713] : memref<6x!tpu.dma_semaphore, #tpu.memory_space<semaphore_mem>> -> memref<1x!tpu.dma_semaphore, #tpu.memory_space<semaphore_mem>>
        %dma_wait3A_725 = tpu.memref_squeeze %dma_wait3A_724 : memref<1x!tpu.dma_semaphore, #tpu.memory_space<semaphore_mem>> -> memref<!tpu.dma_semaphore, #tpu.memory_space<semaphore_mem>>
        tpu.wait_indirect_dma semaphore(%dma_wait3A_725 : memref<!tpu.dma_semaphore, #tpu.memory_space<semaphore_mem>>) src(%dma_wait3A_717 : memref<128x64xf32, #tpu.memory_space<vmem>>) dst(%dma_wait3A_723 : memref<10000x64xf32, #tpu.memory_space<vmem_shared>>)
        %add3A_726 = arith.addi %mul3A_4, %add3A_703 : i32
        %add3A_727 = arith.constant 6 : i32
        %add3A_728 = arith.addi %add3A_726, %add3A_727 : i32
        %mul3A_729 = arith.constant 128 : i32
        %mul3A_730 = arith.muli %add3A_728, %mul3A_729 : i32
        %dma_start3A_731 = arith.constant 0 : i32
        %dma_start3A_732 = arith.constant 5 : i32
        %dma_start3A_733 = arith.constant 5 : i32
        %dma_start3A_734 = arith.constant 0 : i32
        %dma_start3A_735 = tpu.memref_slice %arg5[%dma_start3A_732, %dma_start3A_734] : memref<6x128xi32, #tpu.memory_space<vmem>> -> memref<1x128xi32, #tpu.memory_space<vmem>>
        %dma_start3A_736 = tpu.memref_squeeze %dma_start3A_735 : memref<1x128xi32, #tpu.memory_space<vmem>> -> memref<128xi32, #tpu.memory_space<vmem>>
        %dma_start3A_737 = tpu.memref_slice %arg2[%dma_start3A_731, %mul3A_730] : memref<2x320000xi32, #tpu.memory_space<hbm>> -> memref<1x128xi32, #tpu.memory_space<hbm>>
        %dma_start3A_738 = tpu.memref_squeeze %dma_start3A_737 : memref<1x128xi32, #tpu.memory_space<hbm>> -> memref<128xi32, #tpu.memory_space<hbm>>
        %dma_start3A_739 = tpu.memref_slice %arg11[%dma_start3A_733] : memref<6x!tpu.dma_semaphore, #tpu.memory_space<semaphore_mem>> -> memref<1x!tpu.dma_semaphore, #tpu.memory_space<semaphore_mem>>
        %dma_start3A_740 = tpu.memref_squeeze %dma_start3A_739 : memref<1x!tpu.dma_semaphore, #tpu.memory_space<semaphore_mem>> -> memref<!tpu.dma_semaphore, #tpu.memory_space<semaphore_mem>>
        %dma_start3A_741 = arith.constant 0 : i32
        %dma_start3A_742 = tpu.memref_slice %arg5[%dma_start3A_732, %dma_start3A_741] : memref<6x128xi32, #tpu.memory_space<vmem>> -> memref<1x128xi32, #tpu.memory_space<vmem>>
        %dma_start3A_743 = tpu.memref_squeeze %dma_start3A_742 : memref<1x128xi32, #tpu.memory_space<vmem>> -> memref<128xi32, #tpu.memory_space<vmem>>
        %dma_start3A_744 = tpu.memref_slice %arg2[%dma_start3A_731, %mul3A_730] : memref<2x320000xi32, #tpu.memory_space<hbm>> -> memref<1x128xi32, #tpu.memory_space<hbm>>
        %dma_start3A_745 = tpu.memref_squeeze %dma_start3A_744 : memref<1x128xi32, #tpu.memory_space<hbm>> -> memref<128xi32, #tpu.memory_space<hbm>>
        tpu.enqueue_dma source(%dma_start3A_745 : memref<128xi32, #tpu.memory_space<hbm>>) target(%dma_start3A_743 : memref<128xi32, #tpu.memory_space<vmem>>) target_semaphore(%dma_start3A_740 : memref<!tpu.dma_semaphore, #tpu.memory_space<semaphore_mem>>)
        %mul3A_746 = arith.constant 128 : i32
        %mul3A_747 = arith.muli %add3A_728, %mul3A_746 : i32
        %dma_start3A_748 = arith.constant 5 : i32
        %dma_start3A_749 = arith.constant 5 : i32
        %dma_start3A_750 = arith.constant 0 : i32
        %dma_start3A_751 = arith.constant 0 : i32
        %dma_start3A_752 = tpu.memref_slice %arg6[%dma_start3A_748, %dma_start3A_750, %dma_start3A_751] : memref<6x128x64xf32, #tpu.memory_space<vmem>> -> memref<1x128x64xf32, #tpu.memory_space<vmem>>
        %dma_start3A_753 = tpu.memref_squeeze %dma_start3A_752 : memref<1x128x64xf32, #tpu.memory_space<vmem>> -> memref<128x64xf32, #tpu.memory_space<vmem>>
        %dma_start3A_754 = tpu.memref_slice %arg3[%mul3A_747, %mul3A_0] : memref<320000x128xf32, #tpu.memory_space<hbm>> -> memref<128x64xf32, #tpu.memory_space<hbm>>
        %dma_start3A_755 = tpu.memref_slice %arg11[%dma_start3A_749] : memref<6x!tpu.dma_semaphore, #tpu.memory_space<semaphore_mem>> -> memref<1x!tpu.dma_semaphore, #tpu.memory_space<semaphore_mem>>
        %dma_start3A_756 = tpu.memref_squeeze %dma_start3A_755 : memref<1x!tpu.dma_semaphore, #tpu.memory_space<semaphore_mem>> -> memref<!tpu.dma_semaphore, #tpu.memory_space<semaphore_mem>>
        %dma_start3A_757 = arith.constant 0 : i32
        %dma_start3A_758 = arith.constant 0 : i32
        %dma_start3A_759 = tpu.memref_slice %arg6[%dma_start3A_748, %dma_start3A_757, %dma_start3A_758] : memref<6x128x64xf32, #tpu.memory_space<vmem>> -> memref<1x128x64xf32, #tpu.memory_space<vmem>>
        %dma_start3A_760 = tpu.memref_squeeze %dma_start3A_759 : memref<1x128x64xf32, #tpu.memory_space<vmem>> -> memref<128x64xf32, #tpu.memory_space<vmem>>
        %dma_start3A_761 = tpu.memref_slice %arg3[%mul3A_747, %mul3A_0] : memref<320000x128xf32, #tpu.memory_space<hbm>> -> memref<128x64xf32, #tpu.memory_space<hbm>>
        tpu.enqueue_dma source(%dma_start3A_761 : memref<128x64xf32, #tpu.memory_space<hbm>>) target(%dma_start3A_760 : memref<128x64xf32, #tpu.memory_space<vmem>>) target_semaphore(%dma_start3A_756 : memref<!tpu.dma_semaphore, #tpu.memory_space<semaphore_mem>>)
      } else {
      }
    }
    %scan3A_237 = arith.constant 26 : i32
    %lt3A_238 = arith.constant 4 : i32
    %lt3A_239 = arith.cmpi slt, %arg1, %lt3A_238 : i32
    %convert_element_type3A_240 = arith.extui %lt3A_239 : i1 to i32
    %cond3A_241 = arith.constant 0 : i32
    %cond3A_242 = arith.cmpi ne, %convert_element_type3A_240, %cond3A_241 : i32
    scf.if %cond3A_242 {
      %mul3A_348 = arith.constant 128 : i32
      %mul3A_349 = arith.muli %add3A_214, %mul3A_348 : i32
      %dma_wait3A_350 = arith.constant 0 : i32
      %dma_wait3A_351 = arith.constant 0 : i32
      %dma_wait3A_352 = arith.constant 0 : i32
      %dma_wait3A_353 = tpu.memref_slice %arg8[%dma_wait3A_351, %dma_wait3A_352] : memref<1x128xi32, #tpu.memory_space<vmem>> -> memref<1x128xi32, #tpu.memory_space<vmem>>
      %dma_wait3A_354 = tpu.memref_squeeze %dma_wait3A_353 : memref<1x128xi32, #tpu.memory_space<vmem>> -> memref<128xi32, #tpu.memory_space<vmem>>
      %dma_wait3A_355 = tpu.memref_slice %arg2[%dma_wait3A_350, %mul3A_349] : memref<2x320000xi32, #tpu.memory_space<hbm>> -> memref<1x128xi32, #tpu.memory_space<hbm>>
      %dma_wait3A_356 = tpu.memref_squeeze %dma_wait3A_355 : memref<1x128xi32, #tpu.memory_space<hbm>> -> memref<128xi32, #tpu.memory_space<hbm>>
      %dma_wait3A_357 = arith.constant 0 : i32
      %dma_wait3A_358 = tpu.memref_slice %arg8[%dma_wait3A_351, %dma_wait3A_357] : memref<1x128xi32, #tpu.memory_space<vmem>> -> memref<1x128xi32, #tpu.memory_space<vmem>>
      %dma_wait3A_359 = tpu.memref_squeeze %dma_wait3A_358 : memref<1x128xi32, #tpu.memory_space<vmem>> -> memref<128xi32, #tpu.memory_space<vmem>>
      %dma_wait3A_360 = tpu.memref_slice %arg2[%dma_wait3A_350, %mul3A_349] : memref<2x320000xi32, #tpu.memory_space<hbm>> -> memref<1x128xi32, #tpu.memory_space<hbm>>
      %dma_wait3A_361 = tpu.memref_squeeze %dma_wait3A_360 : memref<1x128xi32, #tpu.memory_space<hbm>> -> memref<128xi32, #tpu.memory_space<hbm>>
      tpu.wait_dma2 semaphore(%arg14 : memref<!tpu.dma_semaphore, #tpu.memory_space<semaphore_mem>>) src(%dma_wait3A_361 : memref<128xi32, #tpu.memory_space<hbm>>) dst(%dma_wait3A_359 : memref<128xi32, #tpu.memory_space<vmem>>)
      %mul3A_362 = arith.constant 128 : i32
      %mul3A_363 = arith.muli %add3A_214, %mul3A_362 : i32
      %dma_wait3A_364 = tpu.memref_slice %arg3[%mul3A_363, %mul3A_0] : memref<320000x128xf32, #tpu.memory_space<hbm>> -> memref<128x64xf32, #tpu.memory_space<hbm>>
      %dma_wait3A_365 = tpu.memref_slice %arg3[%mul3A_363, %mul3A_0] : memref<320000x128xf32, #tpu.memory_space<hbm>> -> memref<128x64xf32, #tpu.memory_space<hbm>>
      tpu.wait_dma2 semaphore(%arg14 : memref<!tpu.dma_semaphore, #tpu.memory_space<semaphore_mem>>) src(%dma_wait3A_365 : memref<128x64xf32, #tpu.memory_space<hbm>>) dst(%arg9 : memref<128x64xf32, #tpu.memory_space<vmem>>)
      %dma_start3A_366 = arith.constant 0 : i32
      %dma_start3A_367 = arith.constant 0 : i32
      %dma_start3A_368 = tpu.memref_slice %arg8[%dma_start3A_366, %dma_start3A_367] : memref<1x128xi32, #tpu.memory_space<vmem>> -> memref<1x128xi32, #tpu.memory_space<vmem>>
      %dma_start3A_369 = tpu.memref_squeeze %dma_start3A_368 : memref<1x128xi32, #tpu.memory_space<vmem>> -> memref<128xi32, #tpu.memory_space<vmem>>
      %dma_start3A_370 = arith.constant 0 : i32
      %dma_start3A_371 = arith.constant 0 : i32
      %dma_start3A_372 = tpu.memref_slice %arg10[%dma_start3A_370, %dma_start3A_371] : memref<10000x64xf32, #tpu.memory_space<vmem_shared>> -> memref<10000x64xf32, #tpu.memory_space<vmem_shared>>
      tpu.enqueue_indirect_dma source(%arg9 : memref<128x64xf32, #tpu.memory_space<vmem>>) target(%dma_start3A_372 : memref<10000x64xf32, #tpu.memory_space<vmem_shared>>) offsets(%dma_start3A_369 : memref<128xi32, #tpu.memory_space<vmem>>) semaphore(%arg14 : memref<!tpu.dma_semaphore, #tpu.memory_space<semaphore_mem>>) {add = true}
    } else {
    }
    %dma_wait3A = arith.constant 0 : i32
    %dma_wait3A_243 = arith.constant 0 : i32
    %dma_wait3A_244 = arith.constant 0 : i32
    %dma_wait3A_245 = arith.constant 0 : i32
    %dma_wait3A_246 = arith.constant 0 : i32
    %dma_wait3A_247 = tpu.memref_slice %arg6[%dma_wait3A, %dma_wait3A_245, %dma_wait3A_246] : memref<6x128x64xf32, #tpu.memory_space<vmem>> -> memref<1x128x64xf32, #tpu.memory_space<vmem>>
    %dma_wait3A_248 = tpu.memref_squeeze %dma_wait3A_247 : memref<1x128x64xf32, #tpu.memory_space<vmem>> -> memref<128x64xf32, #tpu.memory_space<vmem>>
    %dma_wait3A_249 = arith.constant 0 : i32
    %dma_wait3A_250 = tpu.memref_slice %arg5[%dma_wait3A_243, %dma_wait3A_249] : memref<6x128xi32, #tpu.memory_space<vmem>> -> memref<1x128xi32, #tpu.memory_space<vmem>>
    %dma_wait3A_251 = tpu.memref_squeeze %dma_wait3A_250 : memref<1x128xi32, #tpu.memory_space<vmem>> -> memref<128xi32, #tpu.memory_space<vmem>>
    %dma_wait3A_252 = arith.constant 0 : i32
    %dma_wait3A_253 = arith.constant 0 : i32
    %dma_wait3A_254 = tpu.memref_slice %arg10[%dma_wait3A_252, %dma_wait3A_253] : memref<10000x64xf32, #tpu.memory_space<vmem_shared>> -> memref<10000x64xf32, #tpu.memory_space<vmem_shared>>
    %dma_wait3A_255 = tpu.memref_slice %arg12[%dma_wait3A_244] : memref<6x!tpu.dma_semaphore, #tpu.memory_space<semaphore_mem>> -> memref<1x!tpu.dma_semaphore, #tpu.memory_space<semaphore_mem>>
    %dma_wait3A_256 = tpu.memref_squeeze %dma_wait3A_255 : memref<1x!tpu.dma_semaphore, #tpu.memory_space<semaphore_mem>> -> memref<!tpu.dma_semaphore, #tpu.memory_space<semaphore_mem>>
    tpu.wait_indirect_dma semaphore(%dma_wait3A_256 : memref<!tpu.dma_semaphore, #tpu.memory_space<semaphore_mem>>) src(%dma_wait3A_248 : memref<128x64xf32, #tpu.memory_space<vmem>>) dst(%dma_wait3A_254 : memref<10000x64xf32, #tpu.memory_space<vmem_shared>>)
    %dma_wait3A_257 = arith.constant 1 : i32
    %dma_wait3A_258 = arith.constant 1 : i32
    %dma_wait3A_259 = arith.constant 1 : i32
    %dma_wait3A_260 = arith.constant 0 : i32
    %dma_wait3A_261 = arith.constant 0 : i32
    %dma_wait3A_262 = tpu.memref_slice %arg6[%dma_wait3A_257, %dma_wait3A_260, %dma_wait3A_261] : memref<6x128x64xf32, #tpu.memory_space<vmem>> -> memref<1x128x64xf32, #tpu.memory_space<vmem>>
    %dma_wait3A_263 = tpu.memref_squeeze %dma_wait3A_262 : memref<1x128x64xf32, #tpu.memory_space<vmem>> -> memref<128x64xf32, #tpu.memory_space<vmem>>
    %dma_wait3A_264 = arith.constant 0 : i32
    %dma_wait3A_265 = tpu.memref_slice %arg5[%dma_wait3A_258, %dma_wait3A_264] : memref<6x128xi32, #tpu.memory_space<vmem>> -> memref<1x128xi32, #tpu.memory_space<vmem>>
    %dma_wait3A_266 = tpu.memref_squeeze %dma_wait3A_265 : memref<1x128xi32, #tpu.memory_space<vmem>> -> memref<128xi32, #tpu.memory_space<vmem>>
    %dma_wait3A_267 = arith.constant 0 : i32
    %dma_wait3A_268 = arith.constant 0 : i32
    %dma_wait3A_269 = tpu.memref_slice %arg10[%dma_wait3A_267, %dma_wait3A_268] : memref<10000x64xf32, #tpu.memory_space<vmem_shared>> -> memref<10000x64xf32, #tpu.memory_space<vmem_shared>>
    %dma_wait3A_270 = tpu.memref_slice %arg12[%dma_wait3A_259] : memref<6x!tpu.dma_semaphore, #tpu.memory_space<semaphore_mem>> -> memref<1x!tpu.dma_semaphore, #tpu.memory_space<semaphore_mem>>
    %dma_wait3A_271 = tpu.memref_squeeze %dma_wait3A_270 : memref<1x!tpu.dma_semaphore, #tpu.memory_space<semaphore_mem>> -> memref<!tpu.dma_semaphore, #tpu.memory_space<semaphore_mem>>
    tpu.wait_indirect_dma semaphore(%dma_wait3A_271 : memref<!tpu.dma_semaphore, #tpu.memory_space<semaphore_mem>>) src(%dma_wait3A_263 : memref<128x64xf32, #tpu.memory_space<vmem>>) dst(%dma_wait3A_269 : memref<10000x64xf32, #tpu.memory_space<vmem_shared>>)
    %dma_wait3A_272 = arith.constant 2 : i32
    %dma_wait3A_273 = arith.constant 2 : i32
    %dma_wait3A_274 = arith.constant 2 : i32
    %dma_wait3A_275 = arith.constant 0 : i32
    %dma_wait3A_276 = arith.constant 0 : i32
    %dma_wait3A_277 = tpu.memref_slice %arg6[%dma_wait3A_272, %dma_wait3A_275, %dma_wait3A_276] : memref<6x128x64xf32, #tpu.memory_space<vmem>> -> memref<1x128x64xf32, #tpu.memory_space<vmem>>
    %dma_wait3A_278 = tpu.memref_squeeze %dma_wait3A_277 : memref<1x128x64xf32, #tpu.memory_space<vmem>> -> memref<128x64xf32, #tpu.memory_space<vmem>>
    %dma_wait3A_279 = arith.constant 0 : i32
    %dma_wait3A_280 = tpu.memref_slice %arg5[%dma_wait3A_273, %dma_wait3A_279] : memref<6x128xi32, #tpu.memory_space<vmem>> -> memref<1x128xi32, #tpu.memory_space<vmem>>
    %dma_wait3A_281 = tpu.memref_squeeze %dma_wait3A_280 : memref<1x128xi32, #tpu.memory_space<vmem>> -> memref<128xi32, #tpu.memory_space<vmem>>
    %dma_wait3A_282 = arith.constant 0 : i32
    %dma_wait3A_283 = arith.constant 0 : i32
    %dma_wait3A_284 = tpu.memref_slice %arg10[%dma_wait3A_282, %dma_wait3A_283] : memref<10000x64xf32, #tpu.memory_space<vmem_shared>> -> memref<10000x64xf32, #tpu.memory_space<vmem_shared>>
    %dma_wait3A_285 = tpu.memref_slice %arg12[%dma_wait3A_274] : memref<6x!tpu.dma_semaphore, #tpu.memory_space<semaphore_mem>> -> memref<1x!tpu.dma_semaphore, #tpu.memory_space<semaphore_mem>>
    %dma_wait3A_286 = tpu.memref_squeeze %dma_wait3A_285 : memref<1x!tpu.dma_semaphore, #tpu.memory_space<semaphore_mem>> -> memref<!tpu.dma_semaphore, #tpu.memory_space<semaphore_mem>>
    tpu.wait_indirect_dma semaphore(%dma_wait3A_286 : memref<!tpu.dma_semaphore, #tpu.memory_space<semaphore_mem>>) src(%dma_wait3A_278 : memref<128x64xf32, #tpu.memory_space<vmem>>) dst(%dma_wait3A_284 : memref<10000x64xf32, #tpu.memory_space<vmem_shared>>)
    %dma_wait3A_287 = arith.constant 3 : i32
    %dma_wait3A_288 = arith.constant 3 : i32
    %dma_wait3A_289 = arith.constant 3 : i32
    %dma_wait3A_290 = arith.constant 0 : i32
    %dma_wait3A_291 = arith.constant 0 : i32
    %dma_wait3A_292 = tpu.memref_slice %arg6[%dma_wait3A_287, %dma_wait3A_290, %dma_wait3A_291] : memref<6x128x64xf32, #tpu.memory_space<vmem>> -> memref<1x128x64xf32, #tpu.memory_space<vmem>>
    %dma_wait3A_293 = tpu.memref_squeeze %dma_wait3A_292 : memref<1x128x64xf32, #tpu.memory_space<vmem>> -> memref<128x64xf32, #tpu.memory_space<vmem>>
    %dma_wait3A_294 = arith.constant 0 : i32
    %dma_wait3A_295 = tpu.memref_slice %arg5[%dma_wait3A_288, %dma_wait3A_294] : memref<6x128xi32, #tpu.memory_space<vmem>> -> memref<1x128xi32, #tpu.memory_space<vmem>>
    %dma_wait3A_296 = tpu.memref_squeeze %dma_wait3A_295 : memref<1x128xi32, #tpu.memory_space<vmem>> -> memref<128xi32, #tpu.memory_space<vmem>>
    %dma_wait3A_297 = arith.constant 0 : i32
    %dma_wait3A_298 = arith.constant 0 : i32
    %dma_wait3A_299 = tpu.memref_slice %arg10[%dma_wait3A_297, %dma_wait3A_298] : memref<10000x64xf32, #tpu.memory_space<vmem_shared>> -> memref<10000x64xf32, #tpu.memory_space<vmem_shared>>
    %dma_wait3A_300 = tpu.memref_slice %arg12[%dma_wait3A_289] : memref<6x!tpu.dma_semaphore, #tpu.memory_space<semaphore_mem>> -> memref<1x!tpu.dma_semaphore, #tpu.memory_space<semaphore_mem>>
    %dma_wait3A_301 = tpu.memref_squeeze %dma_wait3A_300 : memref<1x!tpu.dma_semaphore, #tpu.memory_space<semaphore_mem>> -> memref<!tpu.dma_semaphore, #tpu.memory_space<semaphore_mem>>
    tpu.wait_indirect_dma semaphore(%dma_wait3A_301 : memref<!tpu.dma_semaphore, #tpu.memory_space<semaphore_mem>>) src(%dma_wait3A_293 : memref<128x64xf32, #tpu.memory_space<vmem>>) dst(%dma_wait3A_299 : memref<10000x64xf32, #tpu.memory_space<vmem_shared>>)
    %dma_wait3A_302 = arith.constant 4 : i32
    %dma_wait3A_303 = arith.constant 4 : i32
    %dma_wait3A_304 = arith.constant 4 : i32
    %dma_wait3A_305 = arith.constant 0 : i32
    %dma_wait3A_306 = arith.constant 0 : i32
    %dma_wait3A_307 = tpu.memref_slice %arg6[%dma_wait3A_302, %dma_wait3A_305, %dma_wait3A_306] : memref<6x128x64xf32, #tpu.memory_space<vmem>> -> memref<1x128x64xf32, #tpu.memory_space<vmem>>
    %dma_wait3A_308 = tpu.memref_squeeze %dma_wait3A_307 : memref<1x128x64xf32, #tpu.memory_space<vmem>> -> memref<128x64xf32, #tpu.memory_space<vmem>>
    %dma_wait3A_309 = arith.constant 0 : i32
    %dma_wait3A_310 = tpu.memref_slice %arg5[%dma_wait3A_303, %dma_wait3A_309] : memref<6x128xi32, #tpu.memory_space<vmem>> -> memref<1x128xi32, #tpu.memory_space<vmem>>
    %dma_wait3A_311 = tpu.memref_squeeze %dma_wait3A_310 : memref<1x128xi32, #tpu.memory_space<vmem>> -> memref<128xi32, #tpu.memory_space<vmem>>
    %dma_wait3A_312 = arith.constant 0 : i32
    %dma_wait3A_313 = arith.constant 0 : i32
    %dma_wait3A_314 = tpu.memref_slice %arg10[%dma_wait3A_312, %dma_wait3A_313] : memref<10000x64xf32, #tpu.memory_space<vmem_shared>> -> memref<10000x64xf32, #tpu.memory_space<vmem_shared>>
    %dma_wait3A_315 = tpu.memref_slice %arg12[%dma_wait3A_304] : memref<6x!tpu.dma_semaphore, #tpu.memory_space<semaphore_mem>> -> memref<1x!tpu.dma_semaphore, #tpu.memory_space<semaphore_mem>>
    %dma_wait3A_316 = tpu.memref_squeeze %dma_wait3A_315 : memref<1x!tpu.dma_semaphore, #tpu.memory_space<semaphore_mem>> -> memref<!tpu.dma_semaphore, #tpu.memory_space<semaphore_mem>>
    tpu.wait_indirect_dma semaphore(%dma_wait3A_316 : memref<!tpu.dma_semaphore, #tpu.memory_space<semaphore_mem>>) src(%dma_wait3A_308 : memref<128x64xf32, #tpu.memory_space<vmem>>) dst(%dma_wait3A_314 : memref<10000x64xf32, #tpu.memory_space<vmem_shared>>)
    %dma_wait3A_317 = arith.constant 5 : i32
    %dma_wait3A_318 = arith.constant 5 : i32
    %dma_wait3A_319 = arith.constant 5 : i32
    %dma_wait3A_320 = arith.constant 0 : i32
    %dma_wait3A_321 = arith.constant 0 : i32
    %dma_wait3A_322 = tpu.memref_slice %arg6[%dma_wait3A_317, %dma_wait3A_320, %dma_wait3A_321] : memref<6x128x64xf32, #tpu.memory_space<vmem>> -> memref<1x128x64xf32, #tpu.memory_space<vmem>>
    %dma_wait3A_323 = tpu.memref_squeeze %dma_wait3A_322 : memref<1x128x64xf32, #tpu.memory_space<vmem>> -> memref<128x64xf32, #tpu.memory_space<vmem>>
    %dma_wait3A_324 = arith.constant 0 : i32
    %dma_wait3A_325 = tpu.memref_slice %arg5[%dma_wait3A_318, %dma_wait3A_324] : memref<6x128xi32, #tpu.memory_space<vmem>> -> memref<1x128xi32, #tpu.memory_space<vmem>>
    %dma_wait3A_326 = tpu.memref_squeeze %dma_wait3A_325 : memref<1x128xi32, #tpu.memory_space<vmem>> -> memref<128xi32, #tpu.memory_space<vmem>>
    %dma_wait3A_327 = arith.constant 0 : i32
    %dma_wait3A_328 = arith.constant 0 : i32
    %dma_wait3A_329 = tpu.memref_slice %arg10[%dma_wait3A_327, %dma_wait3A_328] : memref<10000x64xf32, #tpu.memory_space<vmem_shared>> -> memref<10000x64xf32, #tpu.memory_space<vmem_shared>>
    %dma_wait3A_330 = tpu.memref_slice %arg12[%dma_wait3A_319] : memref<6x!tpu.dma_semaphore, #tpu.memory_space<semaphore_mem>> -> memref<1x!tpu.dma_semaphore, #tpu.memory_space<semaphore_mem>>
    %dma_wait3A_331 = tpu.memref_squeeze %dma_wait3A_330 : memref<1x!tpu.dma_semaphore, #tpu.memory_space<semaphore_mem>> -> memref<!tpu.dma_semaphore, #tpu.memory_space<semaphore_mem>>
    tpu.wait_indirect_dma semaphore(%dma_wait3A_331 : memref<!tpu.dma_semaphore, #tpu.memory_space<semaphore_mem>>) src(%dma_wait3A_323 : memref<128x64xf32, #tpu.memory_space<vmem>>) dst(%dma_wait3A_329 : memref<10000x64xf32, #tpu.memory_space<vmem_shared>>)
    %lt3A_332 = arith.constant 4 : i32
    %lt3A_333 = arith.cmpi slt, %arg1, %lt3A_332 : i32
    %convert_element_type3A_334 = arith.extui %lt3A_333 : i1 to i32
    %cond3A_335 = arith.constant 0 : i32
    %cond3A_336 = arith.cmpi ne, %convert_element_type3A_334, %cond3A_335 : i32
    scf.if %cond3A_336 {
      %dma_wait3A_348 = arith.constant 0 : i32
      %dma_wait3A_349 = arith.constant 0 : i32
      %dma_wait3A_350 = tpu.memref_slice %arg8[%dma_wait3A_348, %dma_wait3A_349] : memref<1x128xi32, #tpu.memory_space<vmem>> -> memref<1x128xi32, #tpu.memory_space<vmem>>
      %dma_wait3A_351 = tpu.memref_squeeze %dma_wait3A_350 : memref<1x128xi32, #tpu.memory_space<vmem>> -> memref<128xi32, #tpu.memory_space<vmem>>
      %dma_wait3A_352 = arith.constant 0 : i32
      %dma_wait3A_353 = arith.constant 0 : i32
      %dma_wait3A_354 = tpu.memref_slice %arg10[%dma_wait3A_352, %dma_wait3A_353] : memref<10000x64xf32, #tpu.memory_space<vmem_shared>> -> memref<10000x64xf32, #tpu.memory_space<vmem_shared>>
      tpu.wait_indirect_dma semaphore(%arg14 : memref<!tpu.dma_semaphore, #tpu.memory_space<semaphore_mem>>) src(%arg9 : memref<128x64xf32, #tpu.memory_space<vmem>>) dst(%dma_wait3A_354 : memref<10000x64xf32, #tpu.memory_space<vmem_shared>>)
    } else {
    }
    %barrier3A_337 = arith.constant 0 : index
    tpu.barrier barrier_id(%barrier3A_337)
    %lt3A_338 = arith.constant 15 : i32
    %lt3A_339 = arith.cmpi slt, %arg1, %lt3A_338 : i32
    %convert_element_type3A_340 = arith.extui %lt3A_339 : i1 to i32
    %cond3A_341 = arith.constant 0 : i32
    %cond3A_342 = arith.cmpi ne, %convert_element_type3A_340, %cond3A_341 : i32
    scf.if %cond3A_342 {
      "tpu.region"() ({
        %run_scoped3A = tpu.sem_alloc : memref<!tpu.dma_semaphore, #tpu.memory_space<semaphore_mem>>
        %dma_start3A_348 = tpu.memref_slice %arg4[%mul3A_2, %mul3A_0] : memref<10000x128xf32, #tpu.memory_space<hbm>> -> memref<640x64xf32, #tpu.memory_space<hbm>>
        %dma_start3A_349 = arith.constant 0 : i32
        %dma_start3A_350 = tpu.memref_slice %arg10[%mul3A_2, %dma_start3A_349] : memref<10000x64xf32, #tpu.memory_space<vmem_shared>> -> memref<640x64xf32, #tpu.memory_space<vmem_shared>>
        tpu.enqueue_dma source(%dma_start3A_350 : memref<640x64xf32, #tpu.memory_space<vmem_shared>>) target(%dma_start3A_348 : memref<640x64xf32, #tpu.memory_space<hbm>>) target_semaphore(%run_scoped3A : memref<!tpu.dma_semaphore, #tpu.memory_space<semaphore_mem>>)
        %dma_wait3A_351 = tpu.memref_slice %arg4[%mul3A_2, %mul3A_0] : memref<10000x128xf32, #tpu.memory_space<hbm>> -> memref<640x64xf32, #tpu.memory_space<hbm>>
        %dma_wait3A_352 = arith.constant 0 : i32
        %dma_wait3A_353 = tpu.memref_slice %arg10[%mul3A_2, %dma_wait3A_352] : memref<10000x64xf32, #tpu.memory_space<vmem_shared>> -> memref<640x64xf32, #tpu.memory_space<vmem_shared>>
        tpu.wait_dma2 semaphore(%run_scoped3A : memref<!tpu.dma_semaphore, #tpu.memory_space<semaphore_mem>>) src(%dma_wait3A_353 : memref<640x64xf32, #tpu.memory_space<vmem_shared>>) dst(%dma_wait3A_351 : memref<640x64xf32, #tpu.memory_space<hbm>>)
        tpu.yield
      }) : () -> ()
    } else {
    }
    %eq3A_343 = arith.constant 15 : i32
    %eq3A_344 = arith.cmpi eq, %arg1, %eq3A_343 : i32
    %convert_element_type3A_345 = arith.extui %eq3A_344 : i1 to i32
    %cond3A_346 = arith.constant 0 : i32
    %cond3A_347 = arith.cmpi ne, %convert_element_type3A_345, %cond3A_346 : i32
    scf.if %cond3A_347 {
      "tpu.region"() ({
        %run_scoped3A = tpu.sem_alloc : memref<!tpu.dma_semaphore, #tpu.memory_space<semaphore_mem>>
        %dma_start3A_348 = arith.constant 9600 : i32
        %dma_start3A_349 = tpu.memref_slice %arg4[%dma_start3A_348, %mul3A_0] : memref<10000x128xf32, #tpu.memory_space<hbm>> -> memref<400x64xf32, #tpu.memory_space<hbm>>
        %dma_start3A_350 = arith.constant 9600 : i32
        %dma_start3A_351 = arith.constant 0 : i32
        %dma_start3A_352 = tpu.memref_slice %arg10[%dma_start3A_350, %dma_start3A_351] : memref<10000x64xf32, #tpu.memory_space<vmem_shared>> -> memref<400x64xf32, #tpu.memory_space<vmem_shared>>
        tpu.enqueue_dma source(%dma_start3A_352 : memref<400x64xf32, #tpu.memory_space<vmem_shared>>) target(%dma_start3A_349 : memref<400x64xf32, #tpu.memory_space<hbm>>) target_semaphore(%run_scoped3A : memref<!tpu.dma_semaphore, #tpu.memory_space<semaphore_mem>>)
        %dma_wait3A_353 = arith.constant 9600 : i32
        %dma_wait3A_354 = tpu.memref_slice %arg4[%dma_wait3A_353, %mul3A_0] : memref<10000x128xf32, #tpu.memory_space<hbm>> -> memref<400x64xf32, #tpu.memory_space<hbm>>
        %dma_wait3A_355 = arith.constant 9600 : i32
        %dma_wait3A_356 = arith.constant 0 : i32
        %dma_wait3A_357 = tpu.memref_slice %arg10[%dma_wait3A_355, %dma_wait3A_356] : memref<10000x64xf32, #tpu.memory_space<vmem_shared>> -> memref<400x64xf32, #tpu.memory_space<vmem_shared>>
        tpu.wait_dma2 semaphore(%run_scoped3A : memref<!tpu.dma_semaphore, #tpu.memory_space<semaphore_mem>>) src(%dma_wait3A_357 : memref<400x64xf32, #tpu.memory_space<vmem_shared>>) dst(%dma_wait3A_354 : memref<400x64xf32, #tpu.memory_space<hbm>>)
        tpu.yield
      }) : () -> ()
    } else {
    }
    return
  }
}

</mosaic_0001>

<sc_bundles>
// kernel: kernel.3.cloned.1.call-start
scs
__scs_entry_jumppad:
0x0: {  	(pc) =	sbr.rel $0x88, $3  }
0x1: {  	(tag) =	ssettag $0x0;
	lr =	simm.s32 $0x1  }
0x2: {  	[smem:$0x3F9F] =	sst lr;
	_ =	strace $0xD0000000  }
0x3: {  	_ = 	snop  }
0x4: {  	_ = 	snop  }
0x5: {  	_ = 	snop  }
0x6: {  	_ = 	snop  }
0x7: {  	_ = 	snop  }
__scs_overlays_trampoline_lowered:
0x8: {  	[smem:$0x3FAE] =	sst s0  }
0x9: {  	[smem:$0x3FAF] =	sst s1  }
0xa: {  	[smem:$0x3FB0] =	sst s2  }
0xb: {  	[smem:$0x3FB1] =	sst s3  }
0xc: {  	[smem:$0x3FB2] =	sst s4  }
0xd: {  	[smem:$0x3FB3] =	sst s5  }
0xe: {  	[smem:$0x3FB4] =	sst s6  }
0xf: {  	[smem:$0x3FB5] =	sst s7  }
0x10: {  	[smem:$0x3FB6] =	sst s8  }
0x11: {  	[smem:$0x3FB7] =	sst s9;
	s0 =	simm.s32 @!p0 $0x0  }
0x12: {  	s1 =	sld [smem:$0x3F9D];
	s0 =	simm.s32 @p0 $0x1  }
0x13: {  	[smem:$0x3FB8] =	sst s0;
	s0 =	simm.s32 @!p1 $0x0  }
0x14: {  	s2 =	sld [smem:$0x3F9C];
	s0 =	simm.s32 @p1 $0x1  }
0x15: {  	[smem:$0x3FB9] =	sst s0;
	s0 =	simm.s32 @!p2 $0x0  }
0x16: {  	s3 =	sld [smem:$0x3FDB];
	s0 =	simm.s32 @p2 $0x1  }
0x17: {  	s4 =	simm.s32 $0x1BF5;
	[smem:$0x3FBB] =	sst s0  }
0x18: {  	s0 =	sld [smem:$0x3F9E];
	_ =	swait.ge [sflag:s4], $0x0  }
0x19: {  	s7 =	sld [smem:$0x3F9F]  }
0x1a: {  	s8 =	sadd.s32 $0xFFFFE003, lr  }
0x1b: {  	s9 =	sadd.s32 $0xFFFFFEF7, lr;
	s5 =	simm.s32 $0xFFFFFFFF;
	p2 =	slt.u32 s8, $0xFFFFF086  }
0x1c: {  	p1 =	slt.u32 s9, $0xF7A;
	s5 =	simm.s32 @!p2 $0x0  }
0x1d: {  	s5 =	simm.s32 @p1 $0x1;
	p0 =	seq.s32 s7, s2  }
0x1e: {  	s7 =	smul.u32 @!p0 $0xF7A, s2;
	p2 =	seq.s32 @!p0 s5, $0x0  }
0x1f: {  	s9 =	smul.u32 $0xF7A, s1;
	s8 =	simm.s32 @!p0 $0x1BF5;
	p2 =	por !p2, p0  }
0x20: {  	[sflag:s8] =	ssyncset.s32 @!p0 $0xFFFFF086;
	s6 =	sadd.s32 @!p0 s3, s7;
	s7 =	simm.s32 @!p0 $0x108  }
0x21: {  	s3 =	sadd.s32 s3, s9;
	s6 =	sadd.s32 @!p0 $0x88, s6;
	s7 =	simm.s32 @p2 $0x1082  }
0x22: {  	[simem:s7], [sflag:s8] =	dma.local @!p0 [hbm:s6], $0xF7A  }
0x23: {  	s9 =	sor.u32 $0xD0000000, s2;
	s6 =	simm.s32 $0x108;
	_ =	swait.ge @!p0 [sflag:s8], $0x0  }
0x24: {  	s3 =	sadd.s32 $0x88, s3;
	s6 =	simm.s32 @!p1 $0x1082;
	[sflag:s4] =	ssyncset.s32 $0xFFFFF086  }
0x25: {  	[simem:s6], [sflag:s4] =	dma.local [hbm:s3], $0xF7A  }
0x26: {  	[smem:$0x3F9F] =	sst s1;
	(tag) =	ssettag s2;
	_ =	strace s9  }
0x27: {  	s1 =	sld [smem:$0x3FAF]  }
0x28: {  	s2 =	sld [smem:$0x3FB0]  }
0x29: {  	s4 =	sld [smem:$0x3FB2]  }
0x2a: {  	p0 =	seq.s32 s5, $0x0;
	s5 =	sld [smem:$0x3FB3]  }
0x2b: {  	s6 =	sld [smem:$0x3FB4]  }
0x2c: {  	s7 =	sld [smem:$0x3FB5]  }
0x2d: {  	s3 =	simm.s32 $0x108;
	s8 =	sld [smem:$0x3FB6]  }
0x2e: {  	s3 =	simm.s32 @!p0 $0x1082;
	s9 =	sld [smem:$0x3FB7]  }
0x2f: {  	lr =	sadd.s32 s0, s3;
	s0 =	sld [smem:$0x3FAE]  }
0x30: {  	s3 =	sld [smem:$0x3FB1]  }
0x31: {  	[smem:$0x3FBA] =	sst s10  }
0x32: {  	s10 =	sld [smem:$0x3FB8];
	_ =	sdelay $0x3  }
0x33: {  	p0 =	seq.s32 s10, $0x1;
	s10 =	sld [smem:$0x3FBA];
	_ =	sdelay $0x3  }
0x34: {  	[smem:$0x3FBA] =	sst s10  }
0x35: {  	s10 =	sld [smem:$0x3FB9];
	_ =	sdelay $0x3  }
0x36: {  	p1 =	seq.s32 s10, $0x1;
	s10 =	sld [smem:$0x3FBA];
	_ =	sdelay $0x3  }
0x37: {  	[smem:$0x3FBA] =	sst s10  }
0x38: {  	s10 =	sld [smem:$0x3FBB]  }
0x39: {  	_ = 	snop;
	(pc) =	sbr.ind lr, $3  }
0x3a: {  	_ = 	snop  }
0x3b: {  	_ = 	snop  }
0x3c: {  	p2 =	seq.s32 s10, $0x1;
	s10 =	sld [smem:$0x3FBA]  }
0x3d: {  	_ =	shalt  }
0x3e: {  	_ =	shalt  }
0x3f: {  	_ =	shalt  }
0x40: {  	_ =	shalt  }
0x41: {  	_ =	shalt  }
0x42: {  	_ =	shalt  }
0x43: {  	_ =	shalt  }
0x44: {  	_ =	shalt  }
0x45: {  	_ =	shalt  }
0x46: {  	_ =	shalt  }
0x47: {  	_ =	shalt  }
0x48: {  	_ =	shalt  }
0x49: {  	_ =	shalt  }
0x4a: {  	_ =	shalt  }
0x4b: {  	_ =	shalt  }
0x4c: {  	_ =	shalt  }
0x4d: {  	_ =	shalt  }
0x4e: {  	_ =	shalt  }
0x4f: {  	_ =	shalt  }
0x50: {  	_ =	shalt  }
0x51: {  	_ =	shalt  }
0x52: {  	_ =	shalt  }
0x53: {  	_ =	shalt  }
0x54: {  	_ =	shalt  }
0x55: {  	_ =	shalt  }
0x56: {  	_ =	shalt  }
0x57: {  	_ =	shalt  }
0x58: {  	_ =	shalt  }
0x59: {  	_ =	shalt  }
0x5a: {  	_ =	shalt  }
0x5b: {  	_ =	shalt  }
0x5c: {  	_ =	shalt  }
0x5d: {  	_ =	shalt  }
0x5e: {  	_ =	shalt  }
0x5f: {  	_ =	shalt  }
0x60: {  	_ =	shalt  }
0x61: {  	_ =	shalt  }
0x62: {  	_ =	shalt  }
0x63: {  	_ =	shalt  }
0x64: {  	_ =	shalt  }
0x65: {  	_ =	shalt  }
0x66: {  	_ =	shalt  }
0x67: {  	_ =	shalt  }
0x68: {  	_ =	shalt  }
0x69: {  	_ =	shalt  }
0x6a: {  	_ =	shalt  }
0x6b: {  	_ =	shalt  }
0x6c: {  	_ =	shalt  }
0x6d: {  	_ =	shalt  }
0x6e: {  	_ =	shalt  }
0x6f: {  	_ =	shalt  }
0x70: {  	_ =	shalt  }
0x71: {  	_ =	shalt  }
0x72: {  	_ =	shalt  }
0x73: {  	_ =	shalt  }
0x74: {  	_ =	shalt  }
0x75: {  	_ =	shalt  }
0x76: {  	_ =	shalt  }
0x77: {  	_ =	shalt  }
0x78: {  	_ =	shalt  }
0x79: {  	_ =	shalt  }
0x7a: {  	_ =	shalt  }
0x7b: {  	_ =	shalt  }
0x7c: {  	_ =	shalt  }
0x7d: {  	_ =	shalt  }
0x7e: {  	_ =	shalt  }
0x7f: {  	_ =	shalt  }
0x80: {  	_ =	shalt  }
0x81: {  	_ =	shalt  }
0x82: {  	_ =	shalt  }
0x83: {  	_ =	shalt  }
0x84: {  	_ =	shalt  }
0x85: {  	_ =	shalt  }
0x86: {  	_ =	shalt  }
0x87: {  	_ =	shalt  }
.Lfunc_end0:
.L_simem_size_0:
called_computation_lowered:
.L_overlay_start_0:
0x88: {  	s2 =	sld [smem:$0x3FD9]  }
0x89: {  	s3 =	sld [smem:$0x3FFE];
	_ =	sdelay $0x1  }
0x8a: {  	s1 =	srdreg.scid  }
0x8b: {  	s0 =	sand.u32 $0x1, s1  }
0x8c: {  	s17 =	sshll.u32 s0, $0xA;
	s2 =	sadd.s32 s3, s2  }
0x8d: {  	s2 =	sadd.s32 s2, s17  }
0x8e: {  	[smem:$0x3FC6] =	sst s2  }
0x8f: {  	_ = 	snop  }
0x90: {  	s2 =	sld [smem:$0x3FC8]  }
0x91: {  	s18 =	sld [smem:$0x3FD0];
	(tm) =	ssettm $0x1  }
0x92: {  	s4 =	sld [smem:$0x3FFB];
	_ =	sdelay $0x3  }
0x93: {  	_ =	strace s4  }
0x94: {  	s4 =	sld [smem:$0x3FFC];
	_ =	sdelay $0x3  }
0x95: {  	_ =	strace s4  }
0x96: {  	s4 =	sld [smem:$0x3FFD];
	_ =	sdelay $0x3  }
0x97: {  	_ =	strace s4  }
0x98: {  	_ =	strace $0x8FFFFFFF  }
0x99: {  	s19 =	sld [smem:$0x3FDB];
	_ =	sdelay $0x1  }
0x9a: {  	s5 =	simm.s32 $_scs_section_size  }
0x9b: {  	s6 =	simm.s32 $_size__tile_overlayer_lowered;
	s7 =	simm.s32 $_tile_overlayer_lowered  }
0x9c: {  	s22 =	simm.s32 $0x1BFF;
	s21 =	sshll.u32 s7, $0x1;
	s4 =	sadd.s32 s5, s19  }
0x9d: {  	s8 =	simm.s32 $0x0;
	s20 =	sshll.u32 s6, $0x1;
	s6 =	sadd.s32 s21, s4  }
0x9e: {  	[timem:s8], [sflag:s22] =	dma.local [hbm:s6], s20  }
0x9f: {  	_ =	swait.ge [sflag:s22], s20  }
0xa0: {  	s5 =	ssub.s32 $0x0, s20;
	[sflag:s22] =	ssyncset.done $0x0  }
0xa1: {  	[sflag:s22] =	ssyncadd.s32 s5;
	_ =	sdelay $0x1  }
0xa2: {  	s23 =	simm.s32 $0x1B8B  }
0xa3: {  	_ =	swait.ge [sflag:s23], $0x1  }
0xa4: {  	[sflag:s23] =	ssyncset.done $0x0  }
0xa5: {  	s25 =	simm.s32 $0x1B8E;
	s24 =	sld [smem:$0x3FFE];
	[sflag:s23] =	ssyncadd.s32 $0xFFFFFFFF  }
0xa6: {  	s26 =	simm.s32 $execute0_lowered;
	[smem:$0x3FD2] =	sst s25  }
0xa7: {  	s6 =	sshll.u32 s26, $0x1;
	_ =	strace $0x80000046;
	[dreg:$0x1] =	wrdreg $0xFFFFFFFF  }
0xa8: {  	s28 =	simm.s32 $_size_execute0_lowered;
	s4 =	sadd.s32 s4, s6;
	[dreg:$0x0] =	wrdreg $0x0  }
0xa9: {  	s6 =	sshll.u32 s28, $0x1;
	[dreg:$0x2] =	wrdreg s4  }
0xaa: {  	[dreg:$0x3] =	wrdreg s6  }
0xab: {  	[dreg:$0x4] =	wrdreg $0xC0  }
0xac: {  	_ =	task [dreg:s8], $0x5FFFF  }
0xad: {  	[dreg:$0x1] =	wrdreg $0xFFFFFFFF  }
0xae: {  	[dreg:$0x0] =	wrdreg $0x60  }
0xaf: {  	[dreg:$0x2] =	wrdreg s24  }
0xb0: {  	[dreg:$0x3] =	wrdreg s2  }
0xb1: {  	[dreg:$0x4] =	wrdreg s18  }
0xb2: {  	[dreg:$0x5] =	wrdreg $0x103800  }
0xb3: {  	[dreg:$0x6] =	wrdreg $0x9  }
0xb4: {  	_ =	task.clear_ibuf [dreg:s8], $0x7FFFF;
	_ =	strace $0x90000046  }
0xb5: {  	s29 =	simm.s32 $0x9;
	_ =	strace $0x80000048  }
0xb6: {  	_ =	swait.ge [sflag:s29], $0x1  }
0xb7: {  	[sflag:s29] =	ssyncadd.s32 $0xFFFFFFFF  }
0xb8: {  	_ =	strace $0x90000048  }
0xb9: {  	_ =	sfence  }
0xba: {  	s30 =	sld [smem:$0x0];
	_ =	sdelay $0x2  }
0xbb: {  	s31 =	sshll.u32 s1, $0xD;
	s1 =	sshrl.u32 s1, $0x2  }
0xbc: {  	s3 =	sand.u32 $0x4000, s31;
	s1 =	sadd.s32 s1, s30  }
0xbd: {  	s0 =	sor.u32 s3, s0;
	s1 =	sshll.u32 s1, $0x11  }
0xbe: {  	s0 =	sor.u32 s1, s0  }
0xbf: {  	s0 =	sadd.s32 $0x8F2B, s0  }
0xc0: {  	[sflag:s0] =	ssyncadd.remote.s32 $0x1  }
0xc1: {  	_ =	sfence.sel $0xFFFF  }
0xc2: {  	[dreg:$0x0] =	wrdreg $0xFFFFFFFF;
	(pc) =	sbr.abs _section_cstart, $3  }
0xc3: {  	[dreg:$0x1] =	wrdreg $0xFFFFFFFF  }
0xc4: {  	_ =	task.clear_ibuf [dreg:s8], $0x2FFFF;
	_ =	strace $0x9FFFFFFF  }
0xc5: {  	(tm) =	ssettm $0x7FFFFFFF  }
tec
execute0_lowered:
.L_overlay_start_1:
0x0: {  	(tag) =	ssettag $0x1  }
0x1: {  	s1 =	rddreg [dreg:$0x0]  }
0x2: {  	s13 =	rddreg [dreg:$0x1]  }
0x3: {  	s0 =	rddreg [dreg:$0x2]  }
0x4: {  	s2 =	rddreg [dreg:$0x3];
	s4 =	simm.s32 $0x0;
	s3 =	srdreg.scid  }
0x5: {  	s14 =	stileid.u32;
	s28 =	simm.s32 $0x5;
	s30 =	simm.s32 $0x6  }
0x6: {  	s31 =	simm.s32 $0x8;
	s29 =	simm.s32 $0x280;
	s5 =	smul.u32 $0x270000, s14  }
0x7: {  	[smem:$0x7FF] =	sst s4;
	s3 =	sand.u32 $0x1, s3;
	s7 =	smul.u32 $0x4E00, s14  }
0x8: {  	s6 =	sadd.s32 $0x400, s1;
	s9 =	smul.u32 $0x9C0, s14;
	p0 =	sgt.u32 s14, $0x3  }
0x9: {  	p1 =	seq.s32 s14, $0xF;
	_ =	strace $0x80000047;
	s12 =	ssub.s32 $0x2, s3  }
0xa: {  	s10 =	sshll.u32 s3, $0x6;
	s3 =	sshll.u32 s3, $0x3;
	s8 =	sshrl.u32 s12, $0x1  }
0xb: {  	s1 =	sor.u32 s10, s5;
	s15 =	sor.u32 $0x80, s7;
	s9 =	sadd.s32 s6, s9  }
0xc: {  	s18 =	sor.u32 $0x100, s7;
	s22 =	sor.u32 $0x180, s7;
	s25 =	sadd.s32 $0x200, s7  }
0xd: {  	s7 =	sadd.s32 $0x280, s7;
	s3 =	sadd.s32 s3, s0;
	s8 =	ssub.s32 s12, s8  }
0xe: {  	[dreg:$0x5] =	wrdreg s9;
	s16 =	sshrl.u32 s1, $0x3;
	s11 =	sshll.u32 s15, $0x7  }
0xf: {  	s5 =	sshrl.u32 s15, $0x3;
	s12 =	sshll.u32 s18, $0x7;
	s21 =	sshrl.u32 s18, $0x3  }
0x10: {  	s23 =	sshll.u32 s22, $0x7;
	s24 =	sshrl.u32 s22, $0x3;
	s26 =	sshll.u32 s25, $0x7  }
0x11: {  	s3 =	sadd.s32 $0x25800, s3;
	s9 =	sadd.s32 s13, s16;
	s17 =	sor.u32 s10, s11  }
0x12: {  	s5 =	sadd.s32 s6, s5;
	s20 =	sor.u32 s10, s12;
	s12 =	sshrl.u32 s25, $0x3  }
0x13: {  	s16 =	sshll.u32 s7, $0x7;
	s7 =	sshrl.u32 s7, $0x3;
	[dreg:$0x14] =	wrdreg s3  }
0x14: {  	s3 =	sadd.s32 $0x1C000, s1;
	s8 =	smax.u32 s8, $0x1;
	[dreg:$0x6] =	wrdreg s9  }
0x15: {  	s11 =	sadd.s32 $0x28000, s1;
	s9 =	sshrl.u32 s17, $0x3;
	[dreg:$0x7] =	wrdreg s5  }
0x16: {  	s5 =	sshrl.u32 s20, $0x3;
	s7 =	sadd.s32 s6, s7;
	[dreg:$0x16] =	wrdreg s8  }
0x17: {  	s17 =	sshll.u32 s14, $0x7;
	s19 =	sadd.s32 s13, s9;
	[dreg:$0xf] =	wrdreg s7  }
0x18: {  	s8 =	simm.s32 $0x40;
	s9 =	sadd.s32 s6, s21;
	[dreg:$0x8] =	wrdreg s19  }
0x19: {  	s5 =	sadd.s32 s13, s5;
	s21 =	smul.u32 $0x14000, s14;
	[dreg:$0x9] =	wrdreg s9  }
0x1a: {  	[dreg:$0xa] =	wrdreg s5;
	s5 =	sor.u32 s10, s23;
	s9 =	sadd.s32 s6, s24  }
0x1b: {  	s19 =	smul.u32 $0x28000, s14;
	s14 =	simm.s32 $0x300;
	[dreg:$0xb] =	wrdreg s9  }
0x1c: {  	s5 =	sshrl.u32 s5, $0x3;
	s9 =	sor.u32 s10, s26;
	s24 =	sor.u32 s10, s21  }
0x1d: {  	s5 =	sadd.s32 s13, s5;
	s15 =	sshrl.u32 s9, $0x3;
	s9 =	sor.u32 $0x4E000, s17  }
0x1e: {  	s23 =	sshrl.u32 s19, $0x2;
	s26 =	sshrl.u32 s24, $0x3;
	s24 =	sadd.s32 $0x98000, s2  }
0x1f: {  	[dreg:$0xc] =	wrdreg s5;
	s5 =	sadd.s32 s6, s12;
	s18 =	sshll.u32 s9, $0x7  }
0x20: {  	s9 =	sshrl.u32 s9, $0x3;
	s25 =	sadd.s32 s23, s2;
	s0 =	sadd.s32 s0, s26  }
0x21: {  	s12 =	sadd.s32 $0x2C000, s1;
	s23 =	sadd.s32 $0x96000, s2;
	[smem:$0x7FB] =	sst s24  }
0x22: {  	s26 =	sadd.s32 $0x9C000, s2;
	s24 =	simm.s32 $0x2;
	[dreg:$0xd] =	wrdreg s5  }
0x23: {  	s5 =	sadd.s32 s13, s15;
	s7 =	sor.u32 s10, s18;
	[dreg:$0x15] =	wrdreg s0  }
0x24: {  	s6 =	sadd.s32 s6, s9;
	s0 =	sshrl.u32 s3, $0x3;
	[dreg:$0x13] =	wrdreg s25  }
0x25: {  	s15 =	sshrl.u32 s11, $0x3;
	s18 =	sadd.s32 $0x18000, s1;
	[smem:$0x7FA] =	sst s23  }
0x26: {  	s19 =	sadd.s32 $0x2000, s25;
	s21 =	sadd.s32 $0x6000, s25;
	[smem:$0x7FD] =	sst s26  }
0x27: {  	s23 =	simm.s32 $0x1;
	s26 =	simm.s32 $0x4;
	[dreg:$0xe] =	wrdreg s5  }
0x28: {  	s11 =	simm.s32 $0x0;
	s5 =	sor.u32 s10, s16;
	[dreg:$0x10] =	wrdreg s6  }
0x29: {  	s20 =	sshrl.u32 s7, $0x3;
	s6 =	sadd.s32 $0x20000, s1;
	[dreg:$0x1c] =	wrdreg s18  }
0x2a: {  	s0 =	sadd.s32 s0, s13;
	s10 =	sadd.s32 $0x24000, s1;
	[dreg:$0x1d] =	wrdreg s19  }
0x2b: {  	s16 =	sshrl.u32 s12, $0x3;
	[dreg:$0x1f] =	wrdreg s21;
	s12 =	simm.s32 $0x2300  }
0x2c: {  	s7 =	simm.s32 $0x8300;
	s21 =	simm.s32 $0xB;
	s18 =	simm.s32 $0x200  }
0x2d: {  	s5 =	sshrl.u32 s5, $0x3;
	s22 =	sadd.s32 s13, s20;
	s3 =	sshrl.u32 s6, $0x3  }
0x2e: {  	[dreg:$0x17] =	wrdreg s0;
	s0 =	sshrl.u32 s10, $0x3;
	s17 =	sadd.s32 s16, s13  }
0x2f: {  	s20 =	sadd.s32 $0x4000, s25;
	s16 =	simm.s32 $0x180;
	[dreg:$0x12] =	wrdreg s22  }
0x30: {  	s10 =	simm.s32 $0x280;
	s6 =	simm.s32 $0xC;
	[dreg:$0x1b] =	wrdreg s17  }
0x31: {  	s5 =	sadd.s32 s13, s5;
	s9 =	sadd.s32 s3, s13;
	[dreg:$0x1e] =	wrdreg s20  }
0x32: {  	s0 =	sadd.s32 s0, s13;
	s22 =	sadd.s32 $0x8000, s25;
	[dreg:$0x11] =	wrdreg s5  }
0x33: {  	s25 =	sadd.s32 $0x9A000, s2;
	s3 =	simm.s32 $0x6300;
	[dreg:$0x18] =	wrdreg s9  }
.Ltmp0:
0x34: {  	s20 =	simm.s32 $0xA;
	[dreg:$0x19] =	wrdreg s0;
	(pc) =	sbr.rel .LBB2_1-.Ltmp0, $4  }
0x35: {  	s17 =	simm.s32 $0x6300;
	s0 =	sadd.s32 s15, s13;
	[smem:$0x7F9] =	sst s22  }
0x36: {  	[smem:$0x7FC] =	sst s25;
	s9 =	simm.s32 $0x80;
	s15 =	simm.s32 $0x100  }
0x37: {  	s13 =	simm.s32 $0x4300;
	s5 =	simm.s32 $0x200;
	s25 =	simm.s32 $0x3  }
0x38: {  	v0 =	vimm.f32 $0.0e+00;
	s22 =	simm.s32 $0x8300;
	[dreg:$0x1a] =	wrdreg s0;
	s0 =	simm.s32 $0xA300  }
.LBB2_10:
0x39: {  	s1 =	sld [smem:$0x7FA];
	_ =	sdelay $0x1  }
0x3a: {  	s3 =	rddreg [dreg:$0x14];
	s5 =	simm.s32 $0x10  }
0x3b: {  	s11 =	simm.s32 $0x1FCF;
	s19 =	simm.s32 $0xF;
	s1 =	sshrl.u32 s1, $0x3  }
0x3c: {  	[hbm:s3@s5], [sflag:s11] =	dma.strided [spmem:s1@s31], $0xC80, s23, $0x8   }
0x3d: {  	_ =	swait.ge [sflag:s19], $0xC80  }
0x3e: {  	[sflag:s19] =	ssyncset.done $0x0  }
0x3f: {  	s5 =	simm.s32 $0x200;
	s11 =	sld [smem:$0x7F8];
	[sflag:s19] =	ssyncadd.s32 $0xFFFFF380  }
.LBB2_11:
0x40: {  	_ =	sdelay $0x1  }
0x41: {  	s1 =	rddreg [dreg:$0x16];
	s11 =	sadd.s32 $0x1, s11  }
0x42: {  	p2 =	sne.s32 s11, s1  }
.Ltmp1:
0x43: {  	_ = 	snop;
	(pc) =	sbr.rel @!p2 .LBB2_12-.Ltmp1, $2  }
0x44: {  	_ =	sdelay $0x2  }
0x45: {  	s3 =	simm.s32 $0x6300  }
.LBB2_1:
0x46: {  	[smem:$0x7F8] =	sst s11  }
0x47: {  	s1 =	rddreg [dreg:$0x5]  }
0x48: {  	s19 =	rddreg [dreg:$0x6]  }
0x49: {  	[tilespmem:s4], [sflag:$0x1] =	stream.linear.gather [hbm4b:s1+s4], $0x80, $0x38;
	[tilespmem:$0x19FC0] =	vst v63  }
0x4a: {  	s11 =	rddreg [dreg:$0x7]  }
0x4b: {  	[tilespmem:s14], [sflag:$0x1] =	stream.strided.gather [hbm4b:s19+s8], $0x2000, s9, s8, $0x38;
	[tilespmem:$0x19FC0] =	vst v63  }
0x4c: {  	s19 =	rddreg [dreg:$0x8]  }
0x4d: {  	[tilespmem:s9], [sflag:$0x2] =	stream.linear.gather [hbm4b:s11+s4], $0x80, $0x38;
	[tilespmem:$0x19FC0] =	vst v63  }
0x4e: {  	s11 =	rddreg [dreg:$0x9]  }
0x4f: {  	[tilespmem:s12], [sflag:$0x2] =	stream.strided.gather [hbm4b:s19+s8], $0x2000, s9, s8, $0x38;
	[tilespmem:$0x19FC0] =	vst v63  }
0x50: {  	s19 =	rddreg [dreg:$0xa]  }
0x51: {  	[tilespmem:s15], [sflag:$0x3] =	stream.linear.gather [hbm4b:s11+s4], $0x80, $0x38;
	[tilespmem:$0x19FC0] =	vst v63  }
0x52: {  	s11 =	rddreg [dreg:$0xb]  }
0x53: {  	[tilespmem:s13], [sflag:$0x3] =	stream.strided.gather [hbm4b:s19+s8], $0x2000, s9, s8, $0x38;
	[tilespmem:$0x19FC0] =	vst v63  }
0x54: {  	s19 =	rddreg [dreg:$0xc]  }
0x55: {  	[tilespmem:s16], [sflag:$0x4] =	stream.linear.gather [hbm4b:s11+s4], $0x80, $0x38;
	[tilespmem:$0x19FC0] =	vst v63  }
0x56: {  	s11 =	rddreg [dreg:$0xf]  }
0x57: {  	[tilespmem:s3], [sflag:$0x4] =	stream.strided.gather [hbm4b:s19+s8], $0x2000, s9, s8, $0x38;
	[tilespmem:$0x19FC0] =	vst v63  }
0x58: {  	s3 =	rddreg [dreg:$0xd]  }
0x59: {  	[tilespmem:s5], [sflag:$0x5] =	stream.linear.gather [hbm4b:s3+s4], $0x80, $0x38;
	[tilespmem:$0x19FC0] =	vst v63  }
0x5a: {  	s5 =	rddreg [dreg:$0xe]  }
0x5b: {  	[tilespmem:s7], [sflag:$0x5] =	stream.strided.gather [hbm4b:s5+s8], $0x2000, s9, s8, $0x38;
	[tilespmem:$0x19FC0] =	vst v63  }
0x5c: {  	s19 =	rddreg [dreg:$0x11]  }
0x5d: {  	[tilespmem:s10], [sflag:$0x6] =	stream.linear.gather [hbm4b:s11+s4], $0x80, $0x38;
	[tilespmem:$0x19FC0] =	vst v63  }
0x5e: {  	s5 =	rddreg [dreg:$0x10]  }
0x5f: {  	[tilespmem:s0], [sflag:$0x6] =	stream.strided.gather [hbm4b:s19+s8], $0x2000, s9, s8, $0x38;
	[tilespmem:$0x19FC0] =	vst v63  }
0x60: {  	s1 =	simm.s32 @!p0 $0x0;
	s3 =	simm.s32 @!p0 $0xE300;
	s7 =	rddreg [dreg:$0x12]  }
0x61: {  	[tilespmem:s3], [sflag:$0xE] =	stream.linear.gather @!p0 [hbm4b:s5+s1], $0x80, $0x38;
	[tilespmem:$0x19FC0] =	vst v63  }
0x62: {  	s1 =	simm.s32 @!p0 $0x40;
	s3 =	simm.s32 @!p0 $0x80;
	s5 =	simm.s32 @!p0 $0xE380  }
0x63: {  	[tilespmem:s5], [sflag:$0xE] =	stream.strided.gather @!p0 [hbm4b:s7+s1], $0x2000, s3, s1, $0x38;
	[tilespmem:$0x19FC0] =	vst v63  }
0x64: {  	s3 =	simm.s32 $0x100;
	s1 =	simm.s32 $0x0  }
.LBB2_2:
0x65: {  	p2 =	sne.s32 s3, $0x7F00;
	[tilespmem:s1+$0xC330] =	vst v0;
	s5 =	smov.u32 s3;
	s3 =	sadd.s32 $0x100, s3  }
.Ltmp2:
0x66: {  	[tilespmem:s1+$0xC320] =	vst v0;
	(pc) =	sbr.rel @p2 .LBB2_2-.Ltmp2, $3  }
0x67: {  	[tilespmem:s1+$0xC300] =	vst v0  }
0x68: {  	[tilespmem:s1+$0xC310] =	vst v0;
	_ =	sdelay $0x1  }
0x69: {  	s1 =	sshra.s32 s5, $0x2  }
0x6a: {  	[tilespmem:s1+$0xC330] =	vst v0  }
0x6b: {  	[tilespmem:s1+$0xC320] =	vst v0;
	s3 =	sld [smem:$0x7FA]  }
0x6c: {  	[tilespmem:s1+$0xC300] =	vst v0  }
0x6d: {  	[tilespmem:s1+$0xC310] =	vst v0;
	s1 =	simm.s32 @p1 $0xC300  }
0x6e: {  	[spmem:s3] =	stream.linear.scatter @p1 [tilespmem:s1], [sflag:$0xD], $0x2000, $0x38;
	[tilespmem:$0x19FC0] =	vst v63  }
0x6f: {  	s3 =	sld [smem:$0x7FB];
	_ =	sdelay $0x2  }
0x70: {  	[spmem:s3] =	stream.linear.scatter @p1 [tilespmem:s1], [sflag:$0xD], $0x2000, $0x38;
	[tilespmem:$0x19FC0] =	vst v63  }
0x71: {  	s3 =	sld [smem:$0x7FC];
	_ =	sdelay $0x2  }
0x72: {  	[spmem:s3] =	stream.linear.scatter @p1 [tilespmem:s1], [sflag:$0xD], $0x2000, $0x38;
	[tilespmem:$0x19FC0] =	vst v63  }
0x73: {  	s3 =	sld [smem:$0x7FD];
	_ =	sdelay $0x2  }
0x74: {  	[spmem:s3] =	stream.linear.scatter @p1 [tilespmem:s1], [sflag:$0xD], $0x400, $0x38;
	[tilespmem:$0x19FC0] =	vst v63  }
0x75: {  	s1 =	simm.s32 @p1 $0xD  }
0x76: {  	_ =	swait.ge @p1 [sflag:s1], $0x2000  }
0x77: {  	[sflag:s1] =	ssyncset.done @p1 $0x0  }
0x78: {  	[sflag:s1] =	ssyncadd.s32 @p1 $0xFFFFE000  }
0x79: {  	_ =	swait.ge @p1 [sflag:s1], $0x2000  }
0x7a: {  	[sflag:s1] =	ssyncset.done @p1 $0x0  }
0x7b: {  	[sflag:s1] =	ssyncadd.s32 @p1 $0xFFFFE000  }
0x7c: {  	_ =	swait.ge @p1 [sflag:s1], $0x2000  }
0x7d: {  	[sflag:s1] =	ssyncset.done @p1 $0x0  }
0x7e: {  	[sflag:s1] =	ssyncadd.s32 @p1 $0xFFFFE000  }
0x7f: {  	_ =	swait.ge @p1 [sflag:s1], $0x400  }
0x80: {  	[sflag:s1] =	ssyncset.done @p1 $0x0  }
0x81: {  	s3 =	rddreg [dreg:$0x13];
	[sflag:s1] =	ssyncadd.s32 @p1 $0xFFFFFC00;
	s1 =	simm.s32 @!p1 $0xC300  }
0x82: {  	[spmem:s3] =	stream.linear.scatter @!p1 [tilespmem:s1], [sflag:$0xD], $0x2000, $0x38;
	[tilespmem:$0x19FC0] =	vst v63  }
0x83: {  	s3 =	rddreg [dreg:$0x1d]  }
0x84: {  	[spmem:s3] =	stream.linear.scatter @!p1 [tilespmem:s1], [sflag:$0xD], $0x2000, $0x38;
	[tilespmem:$0x19FC0] =	vst v63  }
0x85: {  	s3 =	rddreg [dreg:$0x1e]  }
0x86: {  	[spmem:s3] =	stream.linear.scatter @!p1 [tilespmem:s1], [sflag:$0xD], $0x2000, $0x38;
	[tilespmem:$0x19FC0] =	vst v63  }
0x87: {  	s3 =	rddreg [dreg:$0x1f]  }
0x88: {  	[spmem:s3] =	stream.linear.scatter @!p1 [tilespmem:s1], [sflag:$0xD], $0x2000, $0x38;
	[tilespmem:$0x19FC0] =	vst v63  }
0x89: {  	s3 =	sld [smem:$0x7F9];
	_ =	sdelay $0x2  }
0x8a: {  	[spmem:s3] =	stream.linear.scatter @!p1 [tilespmem:s1], [sflag:$0xD], $0x2000, $0x38;
	[tilespmem:$0x19FC0] =	vst v63  }
0x8b: {  	s1 =	simm.s32 @!p1 $0xD  }
0x8c: {  	_ =	swait.ge @!p1 [sflag:s1], $0x2000  }
0x8d: {  	[sflag:s1] =	ssyncset.done @!p1 $0x0  }
0x8e: {  	[sflag:s1] =	ssyncadd.s32 @!p1 $0xFFFFE000  }
0x8f: {  	_ =	swait.ge @!p1 [sflag:s1], $0x2000  }
0x90: {  	[sflag:s1] =	ssyncset.done @!p1 $0x0  }
0x91: {  	[sflag:s1] =	ssyncadd.s32 @!p1 $0xFFFFE000  }
0x92: {  	_ =	swait.ge @!p1 [sflag:s1], $0x2000  }
0x93: {  	[sflag:s1] =	ssyncset.done @!p1 $0x0  }
0x94: {  	[sflag:s1] =	ssyncadd.s32 @!p1 $0xFFFFE000  }
0x95: {  	_ =	swait.ge @!p1 [sflag:s1], $0x2000  }
0x96: {  	[sflag:s1] =	ssyncset.done @!p1 $0x0  }
0x97: {  	[sflag:s1] =	ssyncadd.s32 @!p1 $0xFFFFE000  }
0x98: {  	_ =	swait.ge @!p1 [sflag:s1], $0x2000  }
0x99: {  	[sflag:s1] =	ssyncset.done @!p1 $0x0  }
0x9a: {  	[sflag:s1] =	ssyncadd.s32 @!p1 $0xFFFFE000  }
0x9b: {  	[bflag:$0x0] =	sbarrier.arrive $0xFFFF  }
0x9c: {  	s19 =	rddreg [dreg:$0x1c]  }
0x9d: {  	s3 =	rddreg [dreg:$0x1b]  }
0x9e: {  	s1 =	rddreg [dreg:$0x1a]  }
0x9f: {  	s5 =	rddreg [dreg:$0x19]  }
0xa0: {  	s10 =	rddreg [dreg:$0x18]  }
0xa1: {  	s7 =	simm.s32 $0x0;
	s0 =	simm.s32 $0xA300;
	s11 =	rddreg [dreg:$0x17]  }
.LBB2_4:
0xa2: {  	_ =	swait.ge [sflag:s23], $0x80  }
0xa3: {  	[sflag:s23] =	ssyncset.done $0x0  }
0xa4: {  	[sflag:s23] =	ssyncadd.s32 $0xFFFFFF80  }
0xa5: {  	_ =	swait.ge [sflag:s23], $0x2000  }
0xa6: {  	[sflag:s23] =	ssyncset.done $0x0  }
0xa7: {  	[sflag:s23] =	ssyncadd.s32 $0xFFFFE000  }
0xa8: {  	[spmem:s2] =	stream.indirect.scatter.add.f32 [tilespmem:s14], [sflag:$0x7], $0x40, s4, s9, $0xb8;
	[tilespmem:$0x19FC0] =	vst v63  }
0xa9: {  	_ =	swait.ge [sflag:s24], $0x80  }
0xaa: {  	[sflag:s24] =	ssyncset.done $0x0  }
0xab: {  	[sflag:s24] =	ssyncadd.s32 $0xFFFFFF80  }
0xac: {  	_ =	swait.ge [sflag:s24], $0x2000  }
0xad: {  	[sflag:s24] =	ssyncset.done $0x0  }
0xae: {  	[sflag:s24] =	ssyncadd.s32 $0xFFFFE000  }
0xaf: {  	[spmem:s2] =	stream.indirect.scatter.add.f32 [tilespmem:s12], [sflag:$0x8], $0x40, s9, s9, $0xb8;
	[tilespmem:$0x19FC0] =	vst v63  }
0xb0: {  	_ =	swait.ge [sflag:s25], $0x80  }
0xb1: {  	[sflag:s25] =	ssyncset.done $0x0  }
0xb2: {  	[sflag:s25] =	ssyncadd.s32 $0xFFFFFF80  }
0xb3: {  	_ =	swait.ge [sflag:s25], $0x2000  }
0xb4: {  	[sflag:s25] =	ssyncset.done $0x0  }
0xb5: {  	[sflag:s25] =	ssyncadd.s32 $0xFFFFE000  }
0xb6: {  	[spmem:s2] =	stream.indirect.scatter.add.f32 [tilespmem:s13], [sflag:$0x9], $0x40, s15, s9, $0xb8;
	[tilespmem:$0x19FC0] =	vst v63  }
0xb7: {  	_ =	swait.ge [sflag:s26], $0x80  }
0xb8: {  	[sflag:s26] =	ssyncset.done $0x0  }
0xb9: {  	[sflag:s26] =	ssyncadd.s32 $0xFFFFFF80  }
0xba: {  	_ =	swait.ge [sflag:s26], $0x2000  }
0xbb: {  	[sflag:s26] =	ssyncset.done $0x0  }
0xbc: {  	[sflag:s26] =	ssyncadd.s32 $0xFFFFE000  }
0xbd: {  	[spmem:s2] =	stream.indirect.scatter.add.f32 [tilespmem:s17], [sflag:$0xA], $0x40, s16, s9, $0xb8;
	[tilespmem:$0x19FC0] =	vst v63  }
0xbe: {  	_ =	swait.ge [sflag:s28], $0x80  }
0xbf: {  	[sflag:s28] =	ssyncset.done $0x0  }
0xc0: {  	[sflag:s28] =	ssyncadd.s32 $0xFFFFFF80  }
0xc1: {  	_ =	swait.ge [sflag:s28], $0x2000  }
0xc2: {  	[sflag:s28] =	ssyncset.done $0x0  }
0xc3: {  	[sflag:s28] =	ssyncadd.s32 $0xFFFFE000  }
0xc4: {  	[spmem:s2] =	stream.indirect.scatter.add.f32 [tilespmem:s22], [sflag:$0xB], $0x40, s18, s9, $0xb8;
	[tilespmem:$0x19FC0] =	vst v63  }
0xc5: {  	_ =	swait.ge [sflag:s30], $0x80  }
0xc6: {  	p2 =	seq.s32 s7, $0x960;
	[sflag:s30] =	ssyncset.done $0x0  }
.Ltmp3:
0xc7: {  	[sflag:s30] =	ssyncadd.s32 $0xFFFFFF80;
	(pc) =	sbr.rel @p2 .LBB2_6-.Ltmp3, $4  }
0xc8: {  	_ =	swait.ge [sflag:s30], $0x2000  }
0xc9: {  	[sflag:s30] =	ssyncset.done $0x0  }
0xca: {  	[sflag:s30] =	ssyncadd.s32 $0xFFFFE000  }
0xcb: {  	[spmem:s2] =	stream.indirect.scatter.add.f32 [tilespmem:s0], [sflag:$0xC], $0x40, s29, s9, $0xb8;
	[tilespmem:$0x19FC0] =	vst v63  }
0xcc: {  	s13 =	simm.s32 $0x7  }
0xcd: {  	_ =	swait.ge [sflag:s13], $0x2000  }
0xce: {  	s12 =	rddreg [dreg:$0x5]  }
0xcf: {  	[sflag:s13] =	ssyncset.done $0x0;
	s12 =	sadd.s32 s7, s12  }
0xd0: {  	[sflag:s13] =	ssyncadd.s32 $0xFFFFE000;
	s14 =	sadd.s32 $0x60, s12  }
0xd1: {  	[tilespmem:s4], [sflag:$0x1] =	stream.linear.gather [hbm4b:s14+s4], $0x80, $0x38;
	[tilespmem:$0x19FC0] =	vst v63  }
0xd2: {  	s13 =	sshrl.u32 s19, $0x3;
	s14 =	rddreg [dreg:$0x1]  }
0xd3: {  	s13 =	sadd.s32 s14, s13;
	s14 =	simm.s32 $0x300  }
0xd4: {  	[tilespmem:s14], [sflag:$0x1] =	stream.strided.gather [hbm4b:s13+s8], $0x2000, s9, s8, $0x38;
	[tilespmem:$0x19FC0] =	vst v63  }
0xd5: {  	_ =	swait.ge [sflag:s31], $0x2000  }
0xd6: {  	[sflag:s31] =	ssyncset.done $0x0  }
0xd7: {  	s13 =	sadd.s32 $0x70, s12;
	[sflag:s31] =	ssyncadd.s32 $0xFFFFE000  }
0xd8: {  	[tilespmem:s9], [sflag:$0x2] =	stream.linear.gather [hbm4b:s13+s4], $0x80, $0x38;
	[tilespmem:$0x19FC0] =	vst v63  }
0xd9: {  	s15 =	simm.s32 $0x2300;
	s13 =	simm.s32 $0x9  }
0xda: {  	[tilespmem:s15], [sflag:$0x2] =	stream.strided.gather [hbm4b:s11+s8], $0x2000, s9, s8, $0x38;
	[tilespmem:$0x19FC0] =	vst v63  }
0xdb: {  	_ =	swait.ge [sflag:s13], $0x2000  }
0xdc: {  	[sflag:s13] =	ssyncset.done $0x0  }
0xdd: {  	s15 =	simm.s32 $0x100;
	[sflag:s13] =	ssyncadd.s32 $0xFFFFE000;
	s13 =	sadd.s32 $0x80, s12  }
0xde: {  	[tilespmem:s15], [sflag:$0x3] =	stream.linear.gather [hbm4b:s13+s4], $0x80, $0x38;
	[tilespmem:$0x19FC0] =	vst v63  }
0xdf: {  	s16 =	simm.s32 $0x4300  }
0xe0: {  	[tilespmem:s16], [sflag:$0x3] =	stream.strided.gather [hbm4b:s10+s8], $0x2000, s9, s8, $0x38;
	[tilespmem:$0x19FC0] =	vst v63  }
0xe1: {  	_ =	swait.ge [sflag:s20], $0x2000  }
0xe2: {  	[sflag:s20] =	ssyncset.done $0x0  }
0xe3: {  	s13 =	sadd.s32 $0x90, s12;
	s16 =	simm.s32 $0x180;
	[sflag:s20] =	ssyncadd.s32 $0xFFFFE000  }
0xe4: {  	[tilespmem:s16], [sflag:$0x4] =	stream.linear.gather [hbm4b:s13+s4], $0x80, $0x38;
	[tilespmem:$0x19FC0] =	vst v63  }
0xe5: {  	_ = 	snop  }
0xe6: {  	[tilespmem:s17], [sflag:$0x4] =	stream.strided.gather [hbm4b:s5+s8], $0x2000, s9, s8, $0x38;
	[tilespmem:$0x19FC0] =	vst v63  }
0xe7: {  	_ =	swait.ge [sflag:s21], $0x2000  }
0xe8: {  	[sflag:s21] =	ssyncset.done $0x0  }
0xe9: {  	s13 =	sadd.s32 $0xA0, s12;
	[sflag:s21] =	ssyncadd.s32 $0xFFFFE000  }
0xea: {  	[tilespmem:s18], [sflag:$0x5] =	stream.linear.gather [hbm4b:s13+s4], $0x80, $0x38;
	[tilespmem:$0x19FC0] =	vst v63  }
0xeb: {  	_ = 	snop  }
0xec: {  	[tilespmem:s22], [sflag:$0x5] =	stream.strided.gather [hbm4b:s1+s8], $0x2000, s9, s8, $0x38;
	[tilespmem:$0x19FC0] =	vst v63  }
0xed: {  	s7 =	sadd.s32 $0x60, s7;
	_ =	swait.ge [sflag:s6], $0x2000  }
0xee: {  	s19 =	sadd.s32 $0x18000, s19;
	s11 =	sadd.s32 $0x3000, s11;
	[sflag:s6] =	ssyncset.done $0x0  }
.Ltmp4:
0xef: {  	s12 =	sadd.s32 $0xB0, s12;
	[sflag:s6] =	ssyncadd.s32 $0xFFFFE000;
	(pc) =	sbr.rel .LBB2_4-.Ltmp4, $4  }
0xf0: {  	[tilespmem:s29], [sflag:$0x6] =	stream.linear.gather [hbm4b:s12+s4], $0x80, $0x38;
	[tilespmem:$0x19FC0] =	vst v63  }
0xf1: {  	s10 =	sadd.s32 $0x3000, s10;
	s5 =	sadd.s32 $0x3000, s5;
	s13 =	simm.s32 $0x4300  }
0xf2: {  	[tilespmem:s0], [sflag:$0x6] =	stream.strided.gather [hbm4b:s3+s8], $0x2000, s9, s8, $0x38;
	[tilespmem:$0x19FC0] =	vst v63  }
0xf3: {  	s1 =	sadd.s32 $0x3000, s1;
	s12 =	simm.s32 $0x2300;
	s3 =	sadd.s32 $0x3000, s3  }
.LBB2_6:
0xf4: {  	s1 =	simm.s32 @!p0 $0xE  }
0xf5: {  	_ =	swait.ge @!p0 [sflag:s1], $0x80  }
0xf6: {  	[sflag:s1] =	ssyncset.done @!p0 $0x0  }
0xf7: {  	[sflag:s1] =	ssyncadd.s32 @!p0 $0xFFFFFF80  }
0xf8: {  	_ =	swait.ge @!p0 [sflag:s1], $0x2000  }
0xf9: {  	s3 =	simm.s32 @!p0 $0xE300;
	s5 =	simm.s32 @!p0 $0xE380;
	[sflag:s1] =	ssyncset.done @!p0 $0x0  }
0xfa: {  	s0 =	simm.s32 $0x7;
	[sflag:s1] =	ssyncadd.s32 @!p0 $0xFFFFE000;
	s1 =	simm.s32 @!p0 $0x80  }
0xfb: {  	[spmem:s2] =	stream.indirect.scatter.add.f32 @!p0 [tilespmem:s5], [sflag:$0xE], $0x40, s3, s1, $0xb8;
	[tilespmem:$0x19FC0] =	vst v63  }
0xfc: {  	_ =	swait.ge [sflag:s0], $0x2000  }
0xfd: {  	[sflag:s0] =	ssyncset.done $0x0  }
0xfe: {  	[sflag:s0] =	ssyncadd.s32 $0xFFFFE000  }
0xff: {  	_ =	swait.ge [sflag:s31], $0x2000  }
0x100: {  	[sflag:s31] =	ssyncset.done $0x0  }
0x101: {  	s19 =	simm.s32 $0x9;
	[sflag:s31] =	ssyncadd.s32 $0xFFFFE000  }
0x102: {  	_ =	swait.ge [sflag:s19], $0x2000  }
0x103: {  	[sflag:s19] =	ssyncset.done $0x0  }
0x104: {  	[sflag:s19] =	ssyncadd.s32 $0xFFFFE000  }
0x105: {  	_ =	swait.ge [sflag:s20], $0x2000  }
0x106: {  	[sflag:s20] =	ssyncset.done $0x0  }
0x107: {  	[sflag:s20] =	ssyncadd.s32 $0xFFFFE000  }
0x108: {  	_ =	swait.ge [sflag:s21], $0x2000  }
.Ltmp5:
0x109: {  	[sflag:s21] =	ssyncset.done $0x0;
	(pc) =	sbr.rel @p0 .LBB2_8-.Ltmp5, $4  }
0x10a: {  	[sflag:s21] =	ssyncadd.s32 $0xFFFFE000  }
0x10b: {  	_ =	swait.ge [sflag:s6], $0x2000  }
0x10c: {  	[sflag:s6] =	ssyncset.done $0x0  }
0x10d: {  	[sflag:s6] =	ssyncadd.s32 $0xFFFFE000  }
0x10e: {  	s0 =	simm.s32 $0xE  }
.Ltmp6:
0x10f: {  	_ =	swait.ge [sflag:s0], $0x2000;
	(pc) =	sbr.rel .LBB2_9-.Ltmp6, $4  }
0x110: {  	[sflag:s0] =	ssyncset.done $0x0  }
0x111: {  	[sflag:s0] =	ssyncadd.s32 $0xFFFFE000  }
0x112: {  	[bflag:$0x0] =	sbarrier.arrive $0xFFFF  }
0x113: {  	s7 =	simm.s32 $0x8300;
	s10 =	simm.s32 $0x280;
	s0 =	simm.s32 $0xA300  }
.LBB2_8:
.Ltmp7:
0x114: {  	(pc) =	sbr.rel @p1 .LBB2_10-.Ltmp7, $3  }
0x115: {  	_ =	sdelay $0x1  }
0x116: {  	[bflag:$0x0] =	sbarrier.arrive $0xFFFF  }
0x117: {  	s7 =	simm.s32 $0x8300;
	s10 =	simm.s32 $0x280;
	s0 =	simm.s32 $0xA300  }
.LBB2_9:
0x118: {  	s3 =	rddreg [dreg:$0x13]  }
0x119: {  	s1 =	stileid.u32;
	s5 =	rddreg [dreg:$0x15]  }
0x11a: {  	s11 =	simm.s32 $0x10;
	s19 =	simm.s32 $0xF;
	s1 =	sshll.u32 s1, $0x6  }
.Ltmp8:
0x11b: {  	s3 =	sshrl.u32 s3, $0x3;
	s1 =	sor.u32 $0x1C0F, s1;
	(pc) =	sbr.rel .LBB2_11-.Ltmp8, $4  }
0x11c: {  	[hbm:s5@s11], [sflag:s1] =	dma.strided [spmem:s3@s31], $0x1400, s23, $0x8   }
0x11d: {  	_ =	swait.ge [sflag:s19], $0x1400  }
0x11e: {  	[sflag:s19] =	ssyncset.done $0x0  }
0x11f: {  	s5 =	simm.s32 $0x200;
	s11 =	sld [smem:$0x7F8];
	[sflag:s19] =	ssyncadd.s32 $0xFFFFEC00  }
.LBB2_12:
0x120: {  	_ =	sfence.sel $0x180000  }
0x121: {  	[bflag:$0x0] =	sbarrier.arrive $0xFFFF  }
0x122: {  	_ =	strace $0x90000047  }
0x123: {  	s0 =	stileid.u32;
	[bflag:$0x2] =	sbarrier.arrive $0xFFFF  }
0x124: {  	p0 =	sne.s32 s0, $0x0;
	s0 =	rddreg [dreg:$0x4]  }
0x125: {  	s0 =	sadd.s32 @!p0 $0x100000, s0  }
0x126: {  	[sflag:s0] =	ssyncadd.tile.s32 @!p0 $0x1;
	_ =	shalt  }
.Lfunc_end2:
_tile_overlayer_lowered:
.L_overlay_start_2:
0x127: {  	(tag) =	ssettag $0x2  }
0x128: {  	s0 =	rddreg [dreg:$0x0];
	s2 =	stileid.u32  }
0x129: {  	s1 =	rddreg [dreg:$0x1];
	p0 =	sne.s32 s2, $0x0  }
0x12a: {  	s3 =	rddreg [dreg:$0x2];
	[bflag:$0x3] =	sbarrier.arrive $0xFFFF;
	s2 =	simm.s32 @!p0 $0x1C0F  }
0x12b: {  	[timem:s3], [sflag:s2] =	dma.local @!p0 [hbm:s0], s1  }
0x12c: {  	s0 =	simm.s32 @!p0 $0xF  }
0x12d: {  	_ =	swait.ge @!p0 [sflag:s0], s1  }
0x12e: {  	s1 =	ssub.s32 @!p0 $0x0, s1;
	[sflag:s0] =	ssyncset.done @!p0 $0x0  }
0x12f: {  	[sflag:s0] =	ssyncadd.s32 @!p0 s1  }
0x130: {  	[bflag:$0x3] =	sbarrier.arrive $0xFFFF  }
0x131: {  	_ =	shalt  }

</sc_bundles>
